<compile_context>
chip_gen: v7x
topology: tpu7x:2x2x1
jax: 0.10.2.dev20260603
libtpu: 0.0.44.dev20260713+nightly
codegen_flags: <defaults>
</compile_context>

<pallas_src>
import functools

import jax
import jax.numpy as jnp
from jax import lax
from jax.experimental import pallas as pl
from jax.experimental.pallas import tpu as pltpu
from jax.experimental.pallas import tpu_sc as plsc

_N = 16384
_S = 512
_K = 32
import numpy as np

_R2 = np.float32(0.2 * 0.2)
_EPS = np.float32(1e-5)


def _fps_body(x_ref, y_ref, z_ref, nx_ref, ny_ref, nz_ref, dist_ref):
    B = x_ref.shape[0]
    pos = (lax.broadcasted_iota(jnp.int32, (128, 128), 0) * 128
           + lax.broadcasted_iota(jnp.int32, (128, 128), 1))
    dist_ref[...] = jnp.full((B, 128, 128), 1e10, jnp.float32)
    X = x_ref[...]
    Y = y_ref[...]
    Z = z_ref[...]

    def body(i, f):
        cmask = pos[None, :, :] == f
        cx = jnp.sum(jnp.where(cmask, X, 0.0), axis=(1, 2), keepdims=True)
        cy = jnp.sum(jnp.where(cmask, Y, 0.0), axis=(1, 2), keepdims=True)
        cz = jnp.sum(jnp.where(cmask, Z, 0.0), axis=(1, 2), keepdims=True)
        for b in range(B):
            nx_ref[b, i] = jnp.sum(cx[b])
            ny_ref[b, i] = jnp.sum(cy[b])
            nz_ref[b, i] = jnp.sum(cz[b])
        dx = X - cx
        dy = Y - cy
        dz = Z - cz
        d = (dx * dx + dy * dy) + dz * dz
        dist = jnp.minimum(dist_ref[...], d)
        dist_ref[...] = dist
        mx = jnp.max(dist, axis=(1, 2), keepdims=True)
        cand = jnp.where(dist == mx, pos[None, :, :], _N)
        return jnp.min(cand, axis=(1, 2), keepdims=True).astype(jnp.int32)

    lax.fori_loop(0, _S, body, jnp.zeros((B, 1, 1), jnp.int32))


def _run_fps(xyz):
    B = xyz.shape[0]
    x3 = xyz[..., 0].reshape(B, 128, 128)
    y3 = xyz[..., 1].reshape(B, 128, 128)
    z3 = xyz[..., 2].reshape(B, 128, 128)
    out_sds = jax.ShapeDtypeStruct((B, _S), jnp.float32)
    nx, ny, nz = pl.pallas_call(
        _fps_body,
        out_shape=(out_sds, out_sds, out_sds),
        out_specs=(pl.BlockSpec(memory_space=pltpu.SMEM),) * 3,
        scratch_shapes=[pltpu.VMEM((B, 128, 128), jnp.float32)],
    )(x3, y3, z3)
    return nx, ny, nz


def _rb(v):
    u = plsc.bitcast(v, jnp.int32)
    r = (u + ((u >> 16) & 1) + 0x7FFF) & jnp.int32(-65536)
    return plsc.bitcast(r, jnp.float32)


def _sc_body(x_hbm, y_hbm, z_hbm, nx_hbm, ny_hbm, nz_hbm, f_hbm, g_out,
             x_v, y_v, z_v, bv_v, nx_v, ny_v, nz_v, idxbuf, idx32, grow, sem):
    wid = lax.axis_index("s") * 2 + lax.axis_index("c")
    b = wid // 8
    rows = 64
    pltpu.sync_copy(x_hbm.at[pl.ds(b * _N, _N)], x_v)
    pltpu.sync_copy(y_hbm.at[pl.ds(b * _N, _N)], y_v)
    pltpu.sync_copy(z_hbm.at[pl.ds(b * _N, _N)], z_v)
    pltpu.sync_copy(nx_hbm.at[pl.ds(wid * rows * 16, rows * 16)], nx_v)
    pltpu.sync_copy(ny_hbm.at[pl.ds(wid * rows * 16, rows * 16)], ny_v)
    pltpu.sync_copy(nz_hbm.at[pl.ds(wid * rows * 16, rows * 16)], nz_v)
    iota16 = lax.iota(jnp.int32, 16)
    n16 = jnp.full((16,), _N, jnp.int32)
    two = jnp.float32(2.0)

    def pre_body(j, carry):
        px = x_v[pl.ds(j * 16, 16)]
        py = y_v[pl.ds(j * 16, 16)]
        pz = z_v[pl.ds(j * 16, 16)]
        bv_v[pl.ds(j * 16, 16)] = (px * px + py * py) + pz * pz
        x_v[pl.ds(j * 16, 16)] = _rb(px)
        y_v[pl.ds(j * 16, 16)] = _rb(py)
        z_v[pl.ds(j * 16, 16)] = _rb(pz)
        return carry

    lax.fori_loop(0, _N // 16, pre_body, jnp.int32(0))

    def row_body(r, carry):
        cxv = nx_v[pl.ds(r * 16, 16)]
        cyv = ny_v[pl.ds(r * 16, 16)]
        czv = nz_v[pl.ds(r * 16, 16)]
        a_v = (cxv * cxv + cyv * cyv) + czv * czv
        cxr = _rb(cxv)
        cyr = _rb(cyv)
        czr = _rb(czv)
        idxbuf[pl.ds(0, 16)] = n16

        def cond(state):
            j, off = state
            return jnp.logical_and(off < _K, j < _N // 16)

        def step(state):
            j, off = state
            px = x_v[pl.ds(j * 16, 16)]
            py = y_v[pl.ds(j * 16, 16)]
            pz = z_v[pl.ds(j * 16, 16)]
            b_v = bv_v[pl.ds(j * 16, 16)]
            d_v = (cxr * px + cyr * py) + czr * pz
            d2 = (a_v + b_v) - two * d_v
            m = d2 <= _R2
            plsc.store_compressed(idxbuf.at[pl.ds(off, 16)], iota16 + j * 16,
                                  mask=m)
            cnt = jnp.sum(m.astype(jnp.int32))
            return j + 1, off + cnt

        _, off = lax.while_loop(cond, step, (jnp.int32(0), jnp.int32(0)))

        v0 = idxbuf[pl.ds(0, 16)]
        v1 = idxbuf[pl.ds(16, 16)]
        fill_s = jnp.minimum(jnp.min(jnp.where(iota16 < off, v0, n16)),
                             _N - 1)
        filler = jnp.full((16,), fill_s, jnp.int32)
        boff = b * _N
        idx32[pl.ds(0, 16)] = jnp.where(iota16 < off, v0, filler) + boff
        idx32[pl.ds(16, 16)] = jnp.where(iota16 + 16 < off, v1, filler) + boff
        g_row = (wid * rows + r) * _K
        pltpu.async_copy(f_hbm.at[idx32], grow, sem).wait()
        pltpu.sync_copy(grow, g_out.at[pl.ds(g_row, _K)])
        return carry

    lax.fori_loop(0, 64, row_body, jnp.int32(0))


def _run_sc_gather(xf, yf, zf, nxf, nyf, nzf, F):
    mesh = plsc.VectorSubcoreMesh(core_axis_name="c", subcore_axis_name="s")
    rows = F.shape[0]
    call = functools.partial(
        pl.kernel,
        mesh=mesh,
        compiler_params=pltpu.CompilerParams(needs_layout_passes=False,
                                             use_tc_tiling_on_sc=False),
        out_type=jax.ShapeDtypeStruct((4 * _S * _K, 16), jnp.float32),
        scratch_types=[
            pltpu.VMEM((_N,), jnp.float32),
            pltpu.VMEM((_N,), jnp.float32),
            pltpu.VMEM((_N,), jnp.float32),
            pltpu.VMEM((_N,), jnp.float32),
            pltpu.VMEM((64 * 16,), jnp.float32),
            pltpu.VMEM((64 * 16,), jnp.float32),
            pltpu.VMEM((64 * 16,), jnp.float32),
            pltpu.VMEM((64,), jnp.int32),
            pltpu.VMEM((_K,), jnp.int32),
            pltpu.VMEM((_K, 16), jnp.float32),
            pltpu.SemaphoreType.DMA,
        ],
    )(_sc_body)
    del rows
    return call(xf, yf, zf, nxf, nyf, nzf, F)


def _bn_relu_packed(v, gamma, beta, copies, ch):
    n = jnp.float32(v.shape[0] * copies)
    s = jnp.sum(v, axis=0, keepdims=True)
    s = sum(s[:, i * ch:(i + 1) * ch] for i in range(copies))
    mean = s / n
    meanb = jnp.concatenate([mean] * copies, axis=1)
    d = v - meanb
    s2 = jnp.sum(d * d, axis=0, keepdims=True)
    s2 = sum(s2[:, i * ch:(i + 1) * ch] for i in range(copies))
    var = s2 / n
    varb = jnp.concatenate([var] * copies, axis=1)
    vh = d / jnp.sqrt(varb + _EPS)
    return jnp.maximum(vh * gamma + beta, 0.0)


def _bdot(a, w):
    return jnp.dot(a.astype(jnp.bfloat16), w.astype(jnp.bfloat16),
                   preferred_element_type=jnp.float32)


def _mlp_body(g_ref, s_ref, w0_ref, w1_ref, w2_ref,
              g1_ref, b1_ref, g2_ref, b2_ref, g3_ref, b3_ref, o_ref):
    xin = g_ref[...] - s_ref[...]
    y1 = _bdot(xin, w0_ref[...])
    h1 = _bn_relu_packed(y1, g1_ref[...], b1_ref[...], 8, 32)
    y2 = _bdot(h1, w1_ref[...])
    h2 = _bn_relu_packed(y2, g2_ref[...], b2_ref[...], 8, 32)
    y3 = _bdot(h2, w2_ref[...])
    h3 = _bn_relu_packed(y3, g3_ref[...], b3_ref[...], 8, 64)
    rows_s = h3.shape[0] // 4
    hmax = jnp.max(h3.reshape(rows_s, 4, 512), axis=1)
    m = hmax[:, 0:64]
    for i in range(1, 8):
        m = jnp.maximum(m, hmax[:, i * 64:(i + 1) * 64])
    o_ref[...] = m


def _run_mlp(Gp, Spack, W0blk, W1blk, W2blk, g1, b1, g2, b2, g3, b3):
    rows_s = Gp.shape[0] // 4
    return pl.pallas_call(
        _mlp_body,
        out_shape=jax.ShapeDtypeStruct((rows_s, 64), jnp.float32),
    )(Gp, Spack, W0blk, W1blk, W2blk, g1, b1, g2, b2, g3, b3)


@jax.jit
def kernel(xyz, points, W0, gamma0, beta0, W1, gamma1, beta1, W2, gamma2, beta2):
    B, N, _ = xyz.shape
    nx, ny, nz = _run_fps(xyz)
    new_xyz = jnp.stack([nx, ny, nz], axis=-1)

    P = jnp.concatenate([xyz, points], axis=-1).reshape(B * N, 9)
    Ppad = jnp.zeros((B * N, 16), jnp.float32).at[:, :9].set(P)

    G = _run_sc_gather(
        xyz[..., 0].reshape(-1), xyz[..., 1].reshape(-1),
        xyz[..., 2].reshape(-1),
        jnp.repeat(nx.reshape(-1), 16), jnp.repeat(ny.reshape(-1), 16),
        jnp.repeat(nz.reshape(-1), 16), Ppad)

    cpad = jnp.zeros((B * _S, 16), jnp.float32).at[:, :3].set(
        new_xyz.reshape(B * _S, 3))
    Spack = jnp.repeat(jnp.tile(cpad, (1, 8)), 4, axis=0)
    W0t = jnp.zeros((16, 32), jnp.float32).at[:9, :].set(W0.T)
    W0blk = jnp.zeros((128, 256), jnp.float32)
    W1blk = jnp.zeros((256, 256), jnp.float32)
    W2blk = jnp.zeros((256, 512), jnp.float32)
    for i in range(8):
        W0blk = W0blk.at[i * 16:(i + 1) * 16, i * 32:(i + 1) * 32].set(W0t)
        W1blk = W1blk.at[i * 32:(i + 1) * 32, i * 32:(i + 1) * 32].set(W1.T)
        W2blk = W2blk.at[i * 32:(i + 1) * 32, i * 64:(i + 1) * 64].set(W2.T)
    tile8 = lambda v: jnp.tile(v.reshape(1, -1), (1, 8))
    out = _run_mlp(G.reshape(B * _S * _K // 8, 128), Spack, W0blk,
                   W1blk, W2blk,
                   tile8(gamma0), tile8(beta0), tile8(gamma1), tile8(beta1),
                   tile8(gamma2), tile8(beta2))
    return new_xyz, out.reshape(B, _S, 64)

# --- scband reference (transcript-rebuilt; emitter-appended) ---
"""Pipeline reference for scband-point-net-set-abstraction-43087111913598 (READ-ONLY COPY).

The authoritative reference and input builder live on the scoring server;
editing this copy changes nothing except your own understanding.
"""

import jax, jax.numpy as jnp
import numpy as np

NPOINT = 512
RADIUS = 0.2
NSAMPLE = 32
IN_CH = 9
MLP = [32, 32, 64]
EPS = 1e-5


def farthest_point_sample(xyz, npoint):
    B, N, _ = xyz.shape

    def body(i, state):
        centroids, distance, farthest = state
        centroids = centroids.at[:, i].set(farthest)
        centroid = jnp.take_along_axis(xyz, farthest[:, None, None], axis=1)  # [B,1,3]
        dist = jnp.sum((xyz - centroid) ** 2, axis=-1)
        distance = jnp.minimum(distance, dist)
        farthest = jnp.argmax(distance, axis=-1).astype(jnp.int32)
        return (centroids, distance, farthest)

    init = (jnp.zeros((B, npoint), jnp.int32),
            jnp.full((B, N), 1e10, jnp.float32),
            jnp.zeros((B,), jnp.int32))
    centroids, _, _ = jax.lax.fori_loop(0, npoint, body, init)
    return centroids


def index_points(points, idx):
    # points: [B,N,C]; idx: [B,S] or [B,S,K]
    return jax.vmap(lambda p, i: p[i])(points, idx)


def ball_query(radius, nsample, xyz, new_xyz):
    B, N, _ = xyz.shape
    S = new_xyz.shape[1]
    # squared cdist via the expansion trick (comparing d2 > r^2 == cdist > r)
    d2 = (jnp.sum(new_xyz ** 2, -1)[:, :, None]
          + jnp.sum(xyz ** 2, -1)[:, None, :]
          - 2.0 * jnp.einsum('bsc,bnc->bsn', new_xyz, xyz))
    base = jnp.broadcast_to(jnp.arange(N, dtype=jnp.int32)[None, None, :], (B, S, N))
    masked = jnp.where(d2 > radius * radius, N, base)
    sorted_idx = jnp.sort(masked, axis=-1)[:, :, :nsample]
    first = sorted_idx[:, :, :1]
    sorted_idx = jnp.where(sorted_idx >= N, first, sorted_idx)
    return sorted_idx


def setup_inputs(seed: int = 0):
    key = jax.random.key(seed)
    k1, k2, k3 = jax.random.split(key, 3)
    B, N, C = 4, 16384, 6
    xyz = jax.random.uniform(k1, (B, N, 3), dtype=jnp.float32)
    points = jax.random.normal(k2, (B, N, C), dtype=jnp.float32)
    inp = {"xyz": xyz, "points": points}
    prev = IN_CH
    ks = jax.random.split(k3, len(MLP))
    for i, out in enumerate(MLP):
        inp[f"W{i}"] = jax.random.normal(ks[i], (out, prev), dtype=jnp.float32) * (1.0 / np.sqrt(prev))
        inp[f"gamma{i}"] = jnp.ones((out,), jnp.float32)
        inp[f"beta{i}"] = jnp.zeros((out,), jnp.float32)
        prev = out
    return inp


def reference(xyz, points, W0, gamma0, beta0, W1, gamma1, beta1, W2, gamma2, beta2):
    fps_idx = farthest_point_sample(xyz, NPOINT)
    new_xyz = index_points(xyz, fps_idx)                       # [B,S,3]
    idx = ball_query(RADIUS, NSAMPLE, xyz, new_xyz)            # [B,S,K]
    grouped_xyz = index_points(xyz, idx)                       # [B,S,K,3]
    grouped_xyz_norm = grouped_xyz - new_xyz[:, :, None, :]
    grouped_pts = index_points(points, idx)                    # [B,S,K,C]
    new_points = jnp.concatenate([grouped_xyz_norm, grouped_pts], axis=-1)  # [B,S,K,3+C]
    x = jnp.transpose(new_points, (0, 3, 2, 1))                # [B,Cin,K,S]
    for W, g, b in ((W0, gamma0, beta0), (W1, gamma1, beta1), (W2, gamma2, beta2)):
        x = jnp.einsum('oc,bcks->boks', W, x)                  # 1x1 Conv2d, no bias
        mean = jnp.mean(x, axis=(0, 2, 3), keepdims=True)      # BatchNorm2d (train-mode batch stats)
        var = jnp.mean((x - mean) ** 2, axis=(0, 2, 3), keepdims=True)
        x = (x - mean) / jnp.sqrt(var + EPS)
        x = x * g[None, :, None, None] + b[None, :, None, None]
        x = jnp.maximum(x, 0.0)                                # ReLU
    x = jnp.max(x, axis=2)                                     # maxpool over nsample -> [B,O,S]
    new_points_out = jnp.transpose(x, (0, 2, 1))               # [B,S,O]
    return (new_xyz, new_points_out)

if __name__ == "__main__":
    import jax
    _d = setup_inputs()
    print(jax.jit(kernel)(*tuple(_d.values())))

</pallas_src>

<mosaic_0001>
#map = affine_map<(d0, d1) -> (0)>
#map1 = affine_map<(d0, d1) -> (0, 0)>
module attributes {stable_mosaic.version = 14 : i64} {
  func.func @_sc_body(%arg0: i32, %arg1: i32, %arg2: memref<65536xf32, #tpu.memory_space<hbm>>, %arg3: memref<65536xf32, #tpu.memory_space<hbm>>, %arg4: memref<65536xf32, #tpu.memory_space<hbm>>, %arg5: memref<32768xf32, #tpu.memory_space<hbm>>, %arg6: memref<32768xf32, #tpu.memory_space<hbm>>, %arg7: memref<32768xf32, #tpu.memory_space<hbm>>, %arg8: memref<65536x16xf32, #tpu.memory_space<hbm>>, %arg9: memref<65536x16xf32, #tpu.memory_space<hbm>>, %arg10: memref<16384xf32, #tpu.memory_space<vmem>>, %arg11: memref<16384xf32, #tpu.memory_space<vmem>>, %arg12: memref<16384xf32, #tpu.memory_space<vmem>>, %arg13: memref<16384xf32, #tpu.memory_space<vmem>>, %arg14: memref<1024xf32, #tpu.memory_space<vmem>>, %arg15: memref<1024xf32, #tpu.memory_space<vmem>>, %arg16: memref<1024xf32, #tpu.memory_space<vmem>>, %arg17: memref<64xi32, #tpu.memory_space<vmem>>, %arg18: memref<32xi32, #tpu.memory_space<vmem>>, %arg19: memref<32x16xf32, #tpu.memory_space<vmem>>, %arg20: memref<!tpu.dma_semaphore, #tpu.memory_space<semaphore_mem>>) attributes {dimension_semantics = [#tpu.dimension_semantics<core_parallel>, #tpu.dimension_semantics<subcore_parallel>], iteration_bounds = array<i64: 2, 16>, scalar_prefetch = 0 : i64, scratch_operands = 11 : i64, tpu.core_type = #tpu.core_type<sc_vector_subcore>, window_params = [{transform_indices = #map}, {transform_indices = #map}, {transform_indices = #map}, {transform_indices = #map}, {transform_indices = #map}, {transform_indices = #map}, {transform_indices = #map1}, {transform_indices = #map1}]} {
    %mul3A = arith.constant 2 : i32
    %mul3A_0 = arith.muli %arg1, %mul3A : i32
    %add3A = arith.addi %mul3A_0, %arg0 : i32
    %jit3A = arith.constant 8 : i32
    %div3A = arith.divsi %add3A, %jit3A : i32
    %sign3A = arith.constant 0 : i32
    %sign3A_1 = arith.cmpi sgt, %add3A, %sign3A : i32
    %sign3A_2 = arith.extui %sign3A_1 : i1 to i32
    %sign3A_3 = arith.constant 0 : i32
    %sign3A_4 = arith.cmpi slt, %add3A, %sign3A_3 : i32
    %sign3A_5 = arith.extui %sign3A_4 : i1 to i32
    %sign3A_6 = arith.subi %sign3A_2, %sign3A_5 : i32
    %sign3A_7 = arith.constant 0 : i32
    %sign3A_8 = arith.cmpi sgt, %jit3A, %sign3A_7 : i32
    %sign3A_9 = arith.extui %sign3A_8 : i1 to i32
    %sign3A_10 = arith.constant 0 : i32
    %sign3A_11 = arith.cmpi slt, %jit3A, %sign3A_10 : i32
    %sign3A_12 = arith.extui %sign3A_11 : i1 to i32
    %sign3A_13 = arith.subi %sign3A_9, %sign3A_12 : i32
    %ne3A = arith.cmpi ne, %sign3A_6, %sign3A_13 : i32
    %rem3A = arith.remsi %add3A, %jit3A : i32
    %ne3A_14 = arith.constant 0 : i32
    %ne3A_15 = arith.cmpi ne, %rem3A, %ne3A_14 : i32
    %and3A = arith.andi %ne3A, %ne3A_15 : i1
    %sub3A = arith.constant 1 : i32
    %sub3A_16 = arith.subi %div3A, %sub3A : i32
    %select_n3A = arith.select %and3A, %sub3A_16, %div3A : i32
    %mul3A_17 = arith.constant 16384 : i32
    %mul3A_18 = arith.muli %select_n3A, %mul3A_17 : i32
    "tpu.region"() ({
      %run_scoped3A = tpu.sem_alloc : memref<!tpu.dma_semaphore, #tpu.memory_space<semaphore_mem>>
      %dma_start3A = tpu.memref_slice %arg2[%mul3A_18] : memref<65536xf32, #tpu.memory_space<hbm>> -> memref<16384xf32, #tpu.memory_space<hbm>>
      %dma_start3A_48 = tpu.memref_slice %arg2[%mul3A_18] : memref<65536xf32, #tpu.memory_space<hbm>> -> memref<16384xf32, #tpu.memory_space<hbm>>
      tpu.enqueue_dma source(%dma_start3A_48 : memref<16384xf32, #tpu.memory_space<hbm>>) target(%arg10 : memref<16384xf32, #tpu.memory_space<vmem>>) target_semaphore(%run_scoped3A : memref<!tpu.dma_semaphore, #tpu.memory_space<semaphore_mem>>)
      %dma_wait3A = tpu.memref_slice %arg2[%mul3A_18] : memref<65536xf32, #tpu.memory_space<hbm>> -> memref<16384xf32, #tpu.memory_space<hbm>>
      %dma_wait3A_49 = tpu.memref_slice %arg2[%mul3A_18] : memref<65536xf32, #tpu.memory_space<hbm>> -> memref<16384xf32, #tpu.memory_space<hbm>>
      tpu.wait_dma2 semaphore(%run_scoped3A : memref<!tpu.dma_semaphore, #tpu.memory_space<semaphore_mem>>) src(%dma_wait3A_49 : memref<16384xf32, #tpu.memory_space<hbm>>) dst(%arg10 : memref<16384xf32, #tpu.memory_space<vmem>>)
      tpu.yield
    }) : () -> ()
    %mul3A_19 = arith.constant 16384 : i32
    %mul3A_20 = arith.muli %select_n3A, %mul3A_19 : i32
    "tpu.region"() ({
      %run_scoped3A = tpu.sem_alloc : memref<!tpu.dma_semaphore, #tpu.memory_space<semaphore_mem>>
      %dma_start3A = tpu.memref_slice %arg3[%mul3A_20] : memref<65536xf32, #tpu.memory_space<hbm>> -> memref<16384xf32, #tpu.memory_space<hbm>>
      %dma_start3A_48 = tpu.memref_slice %arg3[%mul3A_20] : memref<65536xf32, #tpu.memory_space<hbm>> -> memref<16384xf32, #tpu.memory_space<hbm>>
      tpu.enqueue_dma source(%dma_start3A_48 : memref<16384xf32, #tpu.memory_space<hbm>>) target(%arg11 : memref<16384xf32, #tpu.memory_space<vmem>>) target_semaphore(%run_scoped3A : memref<!tpu.dma_semaphore, #tpu.memory_space<semaphore_mem>>)
      %dma_wait3A = tpu.memref_slice %arg3[%mul3A_20] : memref<65536xf32, #tpu.memory_space<hbm>> -> memref<16384xf32, #tpu.memory_space<hbm>>
      %dma_wait3A_49 = tpu.memref_slice %arg3[%mul3A_20] : memref<65536xf32, #tpu.memory_space<hbm>> -> memref<16384xf32, #tpu.memory_space<hbm>>
      tpu.wait_dma2 semaphore(%run_scoped3A : memref<!tpu.dma_semaphore, #tpu.memory_space<semaphore_mem>>) src(%dma_wait3A_49 : memref<16384xf32, #tpu.memory_space<hbm>>) dst(%arg11 : memref<16384xf32, #tpu.memory_space<vmem>>)
      tpu.yield
    }) : () -> ()
    %mul3A_21 = arith.constant 16384 : i32
    %mul3A_22 = arith.muli %select_n3A, %mul3A_21 : i32
    "tpu.region"() ({
      %run_scoped3A = tpu.sem_alloc : memref<!tpu.dma_semaphore, #tpu.memory_space<semaphore_mem>>
      %dma_start3A = tpu.memref_slice %arg4[%mul3A_22] : memref<65536xf32, #tpu.memory_space<hbm>> -> memref<16384xf32, #tpu.memory_space<hbm>>
      %dma_start3A_48 = tpu.memref_slice %arg4[%mul3A_22] : memref<65536xf32, #tpu.memory_space<hbm>> -> memref<16384xf32, #tpu.memory_space<hbm>>
      tpu.enqueue_dma source(%dma_start3A_48 : memref<16384xf32, #tpu.memory_space<hbm>>) target(%arg12 : memref<16384xf32, #tpu.memory_space<vmem>>) target_semaphore(%run_scoped3A : memref<!tpu.dma_semaphore, #tpu.memory_space<semaphore_mem>>)
      %dma_wait3A = tpu.memref_slice %arg4[%mul3A_22] : memref<65536xf32, #tpu.memory_space<hbm>> -> memref<16384xf32, #tpu.memory_space<hbm>>
      %dma_wait3A_49 = tpu.memref_slice %arg4[%mul3A_22] : memref<65536xf32, #tpu.memory_space<hbm>> -> memref<16384xf32, #tpu.memory_space<hbm>>
      tpu.wait_dma2 semaphore(%run_scoped3A : memref<!tpu.dma_semaphore, #tpu.memory_space<semaphore_mem>>) src(%dma_wait3A_49 : memref<16384xf32, #tpu.memory_space<hbm>>) dst(%arg12 : memref<16384xf32, #tpu.memory_space<vmem>>)
      tpu.yield
    }) : () -> ()
    %mul3A_23 = arith.constant 64 : i32
    %mul3A_24 = arith.muli %add3A, %mul3A_23 : i32
    %mul3A_25 = arith.constant 16 : i32
    %mul3A_26 = arith.muli %mul3A_24, %mul3A_25 : i32
    "tpu.region"() ({
      %run_scoped3A = tpu.sem_alloc : memref<!tpu.dma_semaphore, #tpu.memory_space<semaphore_mem>>
      %dma_start3A = tpu.memref_slice %arg5[%mul3A_26] : memref<32768xf32, #tpu.memory_space<hbm>> -> memref<1024xf32, #tpu.memory_space<hbm>>
      %dma_start3A_48 = tpu.memref_slice %arg5[%mul3A_26] : memref<32768xf32, #tpu.memory_space<hbm>> -> memref<1024xf32, #tpu.memory_space<hbm>>
      tpu.enqueue_dma source(%dma_start3A_48 : memref<1024xf32, #tpu.memory_space<hbm>>) target(%arg14 : memref<1024xf32, #tpu.memory_space<vmem>>) target_semaphore(%run_scoped3A : memref<!tpu.dma_semaphore, #tpu.memory_space<semaphore_mem>>)
      %dma_wait3A = tpu.memref_slice %arg5[%mul3A_26] : memref<32768xf32, #tpu.memory_space<hbm>> -> memref<1024xf32, #tpu.memory_space<hbm>>
      %dma_wait3A_49 = tpu.memref_slice %arg5[%mul3A_26] : memref<32768xf32, #tpu.memory_space<hbm>> -> memref<1024xf32, #tpu.memory_space<hbm>>
      tpu.wait_dma2 semaphore(%run_scoped3A : memref<!tpu.dma_semaphore, #tpu.memory_space<semaphore_mem>>) src(%dma_wait3A_49 : memref<1024xf32, #tpu.memory_space<hbm>>) dst(%arg14 : memref<1024xf32, #tpu.memory_space<vmem>>)
      tpu.yield
    }) : () -> ()
    %mul3A_27 = arith.constant 64 : i32
    %mul3A_28 = arith.muli %add3A, %mul3A_27 : i32
    %mul3A_29 = arith.constant 16 : i32
    %mul3A_30 = arith.muli %mul3A_28, %mul3A_29 : i32
    "tpu.region"() ({
      %run_scoped3A = tpu.sem_alloc : memref<!tpu.dma_semaphore, #tpu.memory_space<semaphore_mem>>
      %dma_start3A = tpu.memref_slice %arg6[%mul3A_30] : memref<32768xf32, #tpu.memory_space<hbm>> -> memref<1024xf32, #tpu.memory_space<hbm>>
      %dma_start3A_48 = tpu.memref_slice %arg6[%mul3A_30] : memref<32768xf32, #tpu.memory_space<hbm>> -> memref<1024xf32, #tpu.memory_space<hbm>>
      tpu.enqueue_dma source(%dma_start3A_48 : memref<1024xf32, #tpu.memory_space<hbm>>) target(%arg15 : memref<1024xf32, #tpu.memory_space<vmem>>) target_semaphore(%run_scoped3A : memref<!tpu.dma_semaphore, #tpu.memory_space<semaphore_mem>>)
      %dma_wait3A = tpu.memref_slice %arg6[%mul3A_30] : memref<32768xf32, #tpu.memory_space<hbm>> -> memref<1024xf32, #tpu.memory_space<hbm>>
      %dma_wait3A_49 = tpu.memref_slice %arg6[%mul3A_30] : memref<32768xf32, #tpu.memory_space<hbm>> -> memref<1024xf32, #tpu.memory_space<hbm>>
      tpu.wait_dma2 semaphore(%run_scoped3A : memref<!tpu.dma_semaphore, #tpu.memory_space<semaphore_mem>>) src(%dma_wait3A_49 : memref<1024xf32, #tpu.memory_space<hbm>>) dst(%arg15 : memref<1024xf32, #tpu.memory_space<vmem>>)
      tpu.yield
    }) : () -> ()
    %mul3A_31 = arith.constant 64 : i32
    %mul3A_32 = arith.muli %add3A, %mul3A_31 : i32
    %mul3A_33 = arith.constant 16 : i32
    %mul3A_34 = arith.muli %mul3A_32, %mul3A_33 : i32
    "tpu.region"() ({
      %run_scoped3A = tpu.sem_alloc : memref<!tpu.dma_semaphore, #tpu.memory_space<semaphore_mem>>
      %dma_start3A = tpu.memref_slice %arg7[%mul3A_34] : memref<32768xf32, #tpu.memory_space<hbm>> -> memref<1024xf32, #tpu.memory_space<hbm>>
      %dma_start3A_48 = tpu.memref_slice %arg7[%mul3A_34] : memref<32768xf32, #tpu.memory_space<hbm>> -> memref<1024xf32, #tpu.memory_space<hbm>>
      tpu.enqueue_dma source(%dma_start3A_48 : memref<1024xf32, #tpu.memory_space<hbm>>) target(%arg16 : memref<1024xf32, #tpu.memory_space<vmem>>) target_semaphore(%run_scoped3A : memref<!tpu.dma_semaphore, #tpu.memory_space<semaphore_mem>>)
      %dma_wait3A = tpu.memref_slice %arg7[%mul3A_34] : memref<32768xf32, #tpu.memory_space<hbm>> -> memref<1024xf32, #tpu.memory_space<hbm>>
      %dma_wait3A_49 = tpu.memref_slice %arg7[%mul3A_34] : memref<32768xf32, #tpu.memory_space<hbm>> -> memref<1024xf32, #tpu.memory_space<hbm>>
      tpu.wait_dma2 semaphore(%run_scoped3A : memref<!tpu.dma_semaphore, #tpu.memory_space<semaphore_mem>>) src(%dma_wait3A_49 : memref<1024xf32, #tpu.memory_space<hbm>>) dst(%arg16 : memref<1024xf32, #tpu.memory_space<vmem>>)
      tpu.yield
    }) : () -> ()
    %iota3A = tpu.iota {dimensions = array<i32: 0>} : vector<16xi32>
    %broadcast_in_dim3A = arith.constant 16384 : i32
    %broadcast_in_dim3A_35 = vector.broadcast %broadcast_in_dim3A : i32 to vector<16xi32>
    %scan3A = arith.constant 0 : i32
    %scan3A_36 = arith.constant 0 : i32
    %scan3A_37 = arith.constant 1024 : i32
    %scan3A_38 = arith.addi %scan3A_36, %scan3A_37 : i32
    %scan3A_39 = arith.constant 1 : i32
    scf.for %scan3A_48 = %scan3A_36 to %scan3A_38 step %scan3A_39  : i32 {
      %mul3A_49 = arith.constant 16 : i32
      %mul3A_50 = arith.muli %scan3A_48, %mul3A_49 : i32
      %get3A = arith.index_cast %mul3A_50 : i32 to index
      %get3A_51 = tpu.vector_load %arg10[%get3A] {strides = array<i32>} : memref<16384xf32, #tpu.memory_space<vmem>>, vector<16xf32>,
      %mul3A_52 = arith.constant 16 : i32
      %mul3A_53 = arith.muli %scan3A_48, %mul3A_52 : i32
      %get3A_54 = arith.index_cast %mul3A_53 : i32 to index
      %get3A_55 = tpu.vector_load %arg11[%get3A_54] {strides = array<i32>} : memref<16384xf32, #tpu.memory_space<vmem>>, vector<16xf32>,
      %mul3A_56 = arith.constant 16 : i32
      %mul3A_57 = arith.muli %scan3A_48, %mul3A_56 : i32
      %get3A_58 = arith.index_cast %mul3A_57 : i32 to index
      %get3A_59 = tpu.vector_load %arg12[%get3A_58] {strides = array<i32>} : memref<16384xf32, #tpu.memory_space<vmem>>, vector<16xf32>,
      %mul3A_60 = arith.mulf %get3A_51, %get3A_51 : vector<16xf32>
      %mul3A_61 = arith.mulf %get3A_55, %get3A_55 : vector<16xf32>
      %add3A_62 = arith.addf %mul3A_60, %mul3A_61 : vector<16xf32>
      %mul3A_63 = arith.mulf %get3A_59, %get3A_59 : vector<16xf32>
      %add3A_64 = arith.addf %add3A_62, %mul3A_63 : vector<16xf32>
      %mul3A_65 = arith.constant 16 : i32
      %mul3A_66 = arith.muli %scan3A_48, %mul3A_65 : i32
      %swap3A = arith.index_cast %mul3A_66 : i32 to index
      %swap3A_67 = tpu.vector_load %arg13[%swap3A] {strides = array<i32>} : memref<16384xf32, #tpu.memory_space<vmem>>, vector<16xf32>,
      tpu.vector_store %arg13[%swap3A], %add3A_64 {strides = array<i32>} : memref<16384xf32, #tpu.memory_space<vmem>>, vector<16xf32>,
      %bitcast3A = vector.bitcast %get3A_51 : vector<16xf32> to vector<16xi32>
      %shift_right_arithmetic3A = arith.constant 16 : i32
      %shift_right_arithmetic3A_68 = vector.broadcast %shift_right_arithmetic3A : i32 to vector<16xi32>
      %shift_right_arithmetic3A_69 = arith.shrsi %bitcast3A, %shift_right_arithmetic3A_68 : vector<16xi32>
      %and3A_70 = arith.constant 1 : i32
      %and3A_71 = vector.broadcast %and3A_70 : i32 to vector<16xi32>
      %and3A_72 = arith.andi %shift_right_arithmetic3A_69, %and3A_71 : vector<16xi32>
      %add3A_73 = arith.addi %bitcast3A, %and3A_72 : vector<16xi32>
      %add3A_74 = arith.constant 32767 : i32
      %add3A_75 = vector.broadcast %add3A_74 : i32 to vector<16xi32>
      %add3A_76 = arith.addi %add3A_73, %add3A_75 : vector<16xi32>
      %and3A_77 = arith.constant -65536 : i32
      %and3A_78 = vector.broadcast %and3A_77 : i32 to vector<16xi32>
      %and3A_79 = arith.andi %add3A_76, %and3A_78 : vector<16xi32>
      %bitcast3A_80 = vector.bitcast %and3A_79 : vector<16xi32> to vector<16xf32>
      %mul3A_81 = arith.constant 16 : i32
      %mul3A_82 = arith.muli %scan3A_48, %mul3A_81 : i32
      %swap3A_83 = arith.index_cast %mul3A_82 : i32 to index
      %swap3A_84 = tpu.vector_load %arg10[%swap3A_83] {strides = array<i32>} : memref<16384xf32, #tpu.memory_space<vmem>>, vector<16xf32>,
      tpu.vector_store %arg10[%swap3A_83], %bitcast3A_80 {strides = array<i32>} : memref<16384xf32, #tpu.memory_space<vmem>>, vector<16xf32>,
      %bitcast3A_85 = vector.bitcast %get3A_55 : vector<16xf32> to vector<16xi32>
      %shift_right_arithmetic3A_86 = arith.constant 16 : i32
      %shift_right_arithmetic3A_87 = vector.broadcast %shift_right_arithmetic3A_86 : i32 to vector<16xi32>
      %shift_right_arithmetic3A_88 = arith.shrsi %bitcast3A_85, %shift_right_arithmetic3A_87 : vector<16xi32>
      %and3A_89 = arith.constant 1 : i32
      %and3A_90 = vector.broadcast %and3A_89 : i32 to vector<16xi32>
      %and3A_91 = arith.andi %shift_right_arithmetic3A_88, %and3A_90 : vector<16xi32>
      %add3A_92 = arith.addi %bitcast3A_85, %and3A_91 : vector<16xi32>
      %add3A_93 = arith.constant 32767 : i32
      %add3A_94 = vector.broadcast %add3A_93 : i32 to vector<16xi32>
      %add3A_95 = arith.addi %add3A_92, %add3A_94 : vector<16xi32>
      %and3A_96 = arith.constant -65536 : i32
      %and3A_97 = vector.broadcast %and3A_96 : i32 to vector<16xi32>
      %and3A_98 = arith.andi %add3A_95, %and3A_97 : vector<16xi32>
      %bitcast3A_99 = vector.bitcast %and3A_98 : vector<16xi32> to vector<16xf32>
      %mul3A_100 = arith.constant 16 : i32
      %mul3A_101 = arith.muli %scan3A_48, %mul3A_100 : i32
      %swap3A_102 = arith.index_cast %mul3A_101 : i32 to index
      %swap3A_103 = tpu.vector_load %arg11[%swap3A_102] {strides = array<i32>} : memref<16384xf32, #tpu.memory_space<vmem>>, vector<16xf32>,
      tpu.vector_store %arg11[%swap3A_102], %bitcast3A_99 {strides = array<i32>} : memref<16384xf32, #tpu.memory_space<vmem>>, vector<16xf32>,
      %bitcast3A_104 = vector.bitcast %get3A_59 : vector<16xf32> to vector<16xi32>
      %shift_right_arithmetic3A_105 = arith.constant 16 : i32
      %shift_right_arithmetic3A_106 = vector.broadcast %shift_right_arithmetic3A_105 : i32 to vector<16xi32>
      %shift_right_arithmetic3A_107 = arith.shrsi %bitcast3A_104, %shift_right_arithmetic3A_106 : vector<16xi32>
      %and3A_108 = arith.constant 1 : i32
      %and3A_109 = vector.broadcast %and3A_108 : i32 to vector<16xi32>
      %and3A_110 = arith.andi %shift_right_arithmetic3A_107, %and3A_109 : vector<16xi32>
      %add3A_111 = arith.addi %bitcast3A_104, %and3A_110 : vector<16xi32>
      %add3A_112 = arith.constant 32767 : i32
      %add3A_113 = vector.broadcast %add3A_112 : i32 to vector<16xi32>
      %add3A_114 = arith.addi %add3A_111, %add3A_113 : vector<16xi32>
      %and3A_115 = arith.constant -65536 : i32
      %and3A_116 = vector.broadcast %and3A_115 : i32 to vector<16xi32>
      %and3A_117 = arith.andi %add3A_114, %and3A_116 : vector<16xi32>
      %bitcast3A_118 = vector.bitcast %and3A_117 : vector<16xi32> to vector<16xf32>
      %mul3A_119 = arith.constant 16 : i32
      %mul3A_120 = arith.muli %scan3A_48, %mul3A_119 : i32
      %swap3A_121 = arith.index_cast %mul3A_120 : i32 to index
      %swap3A_122 = tpu.vector_load %arg12[%swap3A_121] {strides = array<i32>} : memref<16384xf32, #tpu.memory_space<vmem>>, vector<16xf32>,
      tpu.vector_store %arg12[%swap3A_121], %bitcast3A_118 {strides = array<i32>} : memref<16384xf32, #tpu.memory_space<vmem>>, vector<16xf32>,
    }
    %scan3A_40 = arith.constant 1024 : i32
    %scan3A_41 = arith.constant 0 : i32
    %scan3A_42 = arith.constant 2.000000e+00 : f32
    %scan3A_43 = arith.constant 0 : i32
    %scan3A_44 = arith.constant 64 : i32
    %scan3A_45 = arith.addi %scan3A_43, %scan3A_44 : i32
    %scan3A_46 = arith.constant 1 : i32
    scf.for %scan3A_48 = %scan3A_43 to %scan3A_45 step %scan3A_46  : i32 {
      %mul3A_49 = arith.constant 16 : i32
      %mul3A_50 = arith.muli %scan3A_48, %mul3A_49 : i32
      %get3A = arith.index_cast %mul3A_50 : i32 to index
      %get3A_51 = tpu.vector_load %arg14[%get3A] {strides = array<i32>} : memref<1024xf32, #tpu.memory_space<vmem>>, vector<16xf32>,
      %mul3A_52 = arith.constant 16 : i32
      %mul3A_53 = arith.muli %scan3A_48, %mul3A_52 : i32
      %get3A_54 = arith.index_cast %mul3A_53 : i32 to index
      %get3A_55 = tpu.vector_load %arg15[%get3A_54] {strides = array<i32>} : memref<1024xf32, #tpu.memory_space<vmem>>, vector<16xf32>,
      %mul3A_56 = arith.constant 16 : i32
      %mul3A_57 = arith.muli %scan3A_48, %mul3A_56 : i32
      %get3A_58 = arith.index_cast %mul3A_57 : i32 to index
      %get3A_59 = tpu.vector_load %arg16[%get3A_58] {strides = array<i32>} : memref<1024xf32, #tpu.memory_space<vmem>>, vector<16xf32>,
      %mul3A_60 = arith.mulf %get3A_51, %get3A_51 : vector<16xf32>
      %mul3A_61 = arith.mulf %get3A_55, %get3A_55 : vector<16xf32>
      %add3A_62 = arith.addf %mul3A_60, %mul3A_61 : vector<16xf32>
      %mul3A_63 = arith.mulf %get3A_59, %get3A_59 : vector<16xf32>
      %add3A_64 = arith.addf %add3A_62, %mul3A_63 : vector<16xf32>
      %bitcast3A = vector.bitcast %get3A_51 : vector<16xf32> to vector<16xi32>
      %shift_right_arithmetic3A = arith.constant 16 : i32
      %shift_right_arithmetic3A_65 = vector.broadcast %shift_right_arithmetic3A : i32 to vector<16xi32>
      %shift_right_arithmetic3A_66 = arith.shrsi %bitcast3A, %shift_right_arithmetic3A_65 : vector<16xi32>
      %and3A_67 = arith.constant 1 : i32
      %and3A_68 = vector.broadcast %and3A_67 : i32 to vector<16xi32>
      %and3A_69 = arith.andi %shift_right_arithmetic3A_66, %and3A_68 : vector<16xi32>
      %add3A_70 = arith.addi %bitcast3A, %and3A_69 : vector<16xi32>
      %add3A_71 = arith.constant 32767 : i32
      %add3A_72 = vector.broadcast %add3A_71 : i32 to vector<16xi32>
      %add3A_73 = arith.addi %add3A_70, %add3A_72 : vector<16xi32>
      %and3A_74 = arith.constant -65536 : i32
      %and3A_75 = vector.broadcast %and3A_74 : i32 to vector<16xi32>
      %and3A_76 = arith.andi %add3A_73, %and3A_75 : vector<16xi32>
      %bitcast3A_77 = vector.bitcast %and3A_76 : vector<16xi32> to vector<16xf32>
      %bitcast3A_78 = vector.bitcast %get3A_55 : vector<16xf32> to vector<16xi32>
      %shift_right_arithmetic3A_79 = arith.constant 16 : i32
      %shift_right_arithmetic3A_80 = vector.broadcast %shift_right_arithmetic3A_79 : i32 to vector<16xi32>
      %shift_right_arithmetic3A_81 = arith.shrsi %bitcast3A_78, %shift_right_arithmetic3A_80 : vector<16xi32>
      %and3A_82 = arith.constant 1 : i32
      %and3A_83 = vector.broadcast %and3A_82 : i32 to vector<16xi32>
      %and3A_84 = arith.andi %shift_right_arithmetic3A_81, %and3A_83 : vector<16xi32>
      %add3A_85 = arith.addi %bitcast3A_78, %and3A_84 : vector<16xi32>
      %add3A_86 = arith.constant 32767 : i32
      %add3A_87 = vector.broadcast %add3A_86 : i32 to vector<16xi32>
      %add3A_88 = arith.addi %add3A_85, %add3A_87 : vector<16xi32>
      %and3A_89 = arith.constant -65536 : i32
      %and3A_90 = vector.broadcast %and3A_89 : i32 to vector<16xi32>
      %and3A_91 = arith.andi %add3A_88, %and3A_90 : vector<16xi32>
      %bitcast3A_92 = vector.bitcast %and3A_91 : vector<16xi32> to vector<16xf32>
      %bitcast3A_93 = vector.bitcast %get3A_59 : vector<16xf32> to vector<16xi32>
      %shift_right_arithmetic3A_94 = arith.constant 16 : i32
      %shift_right_arithmetic3A_95 = vector.broadcast %shift_right_arithmetic3A_94 : i32 to vector<16xi32>
      %shift_right_arithmetic3A_96 = arith.shrsi %bitcast3A_93, %shift_right_arithmetic3A_95 : vector<16xi32>
      %and3A_97 = arith.constant 1 : i32
      %and3A_98 = vector.broadcast %and3A_97 : i32 to vector<16xi32>
      %and3A_99 = arith.andi %shift_right_arithmetic3A_96, %and3A_98 : vector<16xi32>
      %add3A_100 = arith.addi %bitcast3A_93, %and3A_99 : vector<16xi32>
      %add3A_101 = arith.constant 32767 : i32
      %add3A_102 = vector.broadcast %add3A_101 : i32 to vector<16xi32>
      %add3A_103 = arith.addi %add3A_100, %add3A_102 : vector<16xi32>
      %and3A_104 = arith.constant -65536 : i32
      %and3A_105 = vector.broadcast %and3A_104 : i32 to vector<16xi32>
      %and3A_106 = arith.andi %add3A_103, %and3A_105 : vector<16xi32>
      %bitcast3A_107 = vector.bitcast %and3A_106 : vector<16xi32> to vector<16xf32>
      %swap3A = arith.constant 0 : index
      %swap3A_108 = tpu.vector_load %arg17[%swap3A] {strides = array<i32>} : memref<64xi32, #tpu.memory_space<vmem>>, vector<16xi32>,
      tpu.vector_store %arg17[%swap3A], %broadcast_in_dim3A_35 {strides = array<i32>} : memref<64xi32, #tpu.memory_space<vmem>>, vector<16xi32>,
      %while3A = arith.constant 0 : i32
      %while3A_109 = arith.constant 0 : i32
      %while3A_110:2 = scf.while (%while3A_154 = %while3A, %while3A_155 = %while3A_109) : (i32, i32) -> (i32, i32) {
        %lt3A_156 = arith.constant 32 : i32
        %lt3A_157 = arith.cmpi slt, %while3A_155, %lt3A_156 : i32
        %lt3A_158 = arith.constant 1024 : i32
        %lt3A_159 = arith.cmpi slt, %while3A_154, %lt3A_158 : i32
        %and3A_160 = arith.andi %lt3A_157, %lt3A_159 : i1
        scf.condition(%and3A_160) %while3A_154, %while3A_155 : i32, i32
      } do {
      ^bb0(%while3A_154: i32, %while3A_155: i32):
        %mul3A_156 = arith.constant 16 : i32
        %mul3A_157 = arith.muli %while3A_154, %mul3A_156 : i32
        %get3A_158 = arith.index_cast %mul3A_157 : i32 to index
        %get3A_159 = tpu.vector_load %arg10[%get3A_158] {strides = array<i32>} : memref<16384xf32, #tpu.memory_space<vmem>>, vector<16xf32>,
        %mul3A_160 = arith.constant 16 : i32
        %mul3A_161 = arith.muli %while3A_154, %mul3A_160 : i32
        %get3A_162 = arith.index_cast %mul3A_161 : i32 to index
        %get3A_163 = tpu.vector_load %arg11[%get3A_162] {strides = array<i32>} : memref<16384xf32, #tpu.memory_space<vmem>>, vector<16xf32>,
        %mul3A_164 = arith.constant 16 : i32
        %mul3A_165 = arith.muli %while3A_154, %mul3A_164 : i32
        %get3A_166 = arith.index_cast %mul3A_165 : i32 to index
        %get3A_167 = tpu.vector_load %arg12[%get3A_166] {strides = array<i32>} : memref<16384xf32, #tpu.memory_space<vmem>>, vector<16xf32>,
        %mul3A_168 = arith.constant 16 : i32
        %mul3A_169 = arith.muli %while3A_154, %mul3A_168 : i32
        %get3A_170 = arith.index_cast %mul3A_169 : i32 to index
        %get3A_171 = tpu.vector_load %arg13[%get3A_170] {strides = array<i32>} : memref<16384xf32, #tpu.memory_space<vmem>>, vector<16xf32>,
        %mul3A_172 = arith.mulf %bitcast3A_77, %get3A_159 : vector<16xf32>
        %mul3A_173 = arith.mulf %bitcast3A_92, %get3A_163 : vector<16xf32>
        %add3A_174 = arith.addf %mul3A_172, %mul3A_173 : vector<16xf32>
        %mul3A_175 = arith.mulf %bitcast3A_107, %get3A_167 : vector<16xf32>
        %add3A_176 = arith.addf %add3A_174, %mul3A_175 : vector<16xf32>
        %add3A_177 = arith.addf %add3A_64, %get3A_171 : vector<16xf32>
        %mul3A_178 = vector.broadcast %scan3A_42 : f32 to vector<16xf32>
        %mul3A_179 = arith.mulf %mul3A_178, %add3A_176 : vector<16xf32>
        %sub3A_180 = arith.subf %add3A_177, %mul3A_179 : vector<16xf32>
        %le3A = arith.constant 4.000000e-02 : f32
        %le3A_181 = vector.broadcast %le3A : f32 to vector<16xf32>
        %le3A_182 = arith.cmpf ole, %sub3A_180, %le3A_181 : vector<16xf32>
        %mul3A_183 = arith.constant 16 : i32
        %mul3A_184 = arith.muli %while3A_154, %mul3A_183 : i32
        %add3A_185 = vector.broadcast %mul3A_184 : i32 to vector<16xi32>
        %add3A_186 = arith.addi %iota3A, %add3A_185 : vector<16xi32>
        %swap3A_187 = arith.index_cast %while3A_155 : i32 to index
        %swap3A_188 = tpu.vector_load %arg17[%swap3A_187] masked %le3A_182 {strides = array<i32>} : memref<64xi32, #tpu.memory_space<vmem>>, vector<16xi32>, vector<16xi1>
        tpu.vector_store %arg17[%swap3A_187], %add3A_186 masked %le3A_182 {strides = array<i32>} : memref<64xi32, #tpu.memory_space<vmem>>, vector<16xi32>, vector<16xi1>
        %convert_element_type3A = arith.extui %le3A_182 : vector<16xi1> to vector<16xi32>
        %reduce_sum3A = arith.constant true
        %reduce_sum3A_189 = vector.broadcast %reduce_sum3A : i1 to vector<16xi1>
        %reduce_sum3A_190 = tpu.scan <sum>, %convert_element_type3A masked %reduce_sum3A_189 : vector<16xi32>, vector<16xi1> -> vector<16xi32>
        %reduce_sum3A_191 = vector.extract %reduce_sum3A_190[15] : i32 from vector<16xi32>
        %add3A_192 = arith.constant 1 : i32
        %add3A_193 = arith.addi %while3A_154, %add3A_192 : i32
        %add3A_194 = arith.addi %while3A_155, %reduce_sum3A_191 : i32
        scf.yield %add3A_193, %add3A_194 : i32, i32
      }
      %get3A_111 = arith.constant 0 : index
      %get3A_112 = tpu.vector_load %arg17[%get3A_111] {strides = array<i32>} : memref<64xi32, #tpu.memory_space<vmem>>, vector<16xi32>,
      %get3A_113 = arith.constant 16 : index
      %get3A_114 = tpu.vector_load %arg17[%get3A_113] {strides = array<i32>} : memref<64xi32, #tpu.memory_space<vmem>>, vector<16xi32>,
      %lt3A = vector.broadcast %while3A_110#1 : i32 to vector<16xi32>
      %lt3A_115 = arith.cmpi slt, %iota3A, %lt3A : vector<16xi32>
      %select_n3A_116 = arith.select %lt3A_115, %get3A_112, %broadcast_in_dim3A_35 : vector<16xi1>, vector<16xi32>
      %reduce_min3A = arith.constant true
      %reduce_min3A_117 = vector.broadcast %reduce_min3A : i1 to vector<16xi1>
      %reduce_min3A_118 = arith.constant -2147483648 : i32
      %reduce_min3A_119 = vector.broadcast %reduce_min3A_118 : i32 to vector<16xi32>
      %reduce_min3A_120 = arith.xori %select_n3A_116, %reduce_min3A_119 : vector<16xi32>
      %reduce_min3A_121 = tpu.scan <min>, %reduce_min3A_120 masked %reduce_min3A_117 : vector<16xi32>, vector<16xi1> -> vector<16xi32>
      %reduce_min3A_122 = arith.xori %reduce_min3A_121, %reduce_min3A_119 : vector<16xi32>
      %reduce_min3A_123 = vector.extract %reduce_min3A_122[15] : i32 from vector<16xi32>
      %min3A = arith.constant 16383 : i32
      %min3A_124 = arith.minsi %reduce_min3A_123, %min3A : i32
      %broadcast_in_dim3A_125 = vector.broadcast %min3A_124 : i32 to vector<16xi32>
      %mul3A_126 = arith.constant 16384 : i32
      %mul3A_127 = arith.muli %select_n3A, %mul3A_126 : i32
      %lt3A_128 = vector.broadcast %while3A_110#1 : i32 to vector<16xi32>
      %lt3A_129 = arith.cmpi slt, %iota3A, %lt3A_128 : vector<16xi32>
      %select_n3A_130 = arith.select %lt3A_129, %get3A_112, %broadcast_in_dim3A_125 : vector<16xi1>, vector<16xi32>
      %add3A_131 = vector.broadcast %mul3A_127 : i32 to vector<16xi32>
      %add3A_132 = arith.addi %select_n3A_130, %add3A_131 : vector<16xi32>
      %swap3A_133 = arith.constant 0 : index
      %swap3A_134 = tpu.vector_load %arg18[%swap3A_133] {strides = array<i32>} : memref<32xi32, #tpu.memory_space<vmem>>, vector<16xi32>,
      tpu.vector_store %arg18[%swap3A_133], %add3A_132 {strides = array<i32>} : memref<32xi32, #tpu.memory_space<vmem>>, vector<16xi32>,
      %add3A_135 = arith.constant 16 : i32
      %add3A_136 = vector.broadcast %add3A_135 : i32 to vector<16xi32>
      %add3A_137 = arith.addi %iota3A, %add3A_136 : vector<16xi32>
      %lt3A_138 = vector.broadcast %while3A_110#1 : i32 to vector<16xi32>
      %lt3A_139 = arith.cmpi slt, %add3A_137, %lt3A_138 : vector<16xi32>
      %select_n3A_140 = arith.select %lt3A_139, %get3A_114, %broadcast_in_dim3A_125 : vector<16xi1>, vector<16xi32>
      %add3A_141 = vector.broadcast %mul3A_127 : i32 to vector<16xi32>
      %add3A_142 = arith.addi %select_n3A_140, %add3A_141 : vector<16xi32>
      %swap3A_143 = arith.constant 16 : index
      %swap3A_144 = tpu.vector_load %arg18[%swap3A_143] {strides = array<i32>} : memref<32xi32, #tpu.memory_space<vmem>>, vector<16xi32>,
      tpu.vector_store %arg18[%swap3A_143], %add3A_142 {strides = array<i32>} : memref<32xi32, #tpu.memory_space<vmem>>, vector<16xi32>,
      %mul3A_145 = arith.constant 64 : i32
      %mul3A_146 = arith.muli %add3A, %mul3A_145 : i32
      %add3A_147 = arith.addi %mul3A_146, %scan3A_48 : i32
      %mul3A_148 = arith.constant 32 : i32
      %mul3A_149 = arith.muli %add3A_147, %mul3A_148 : i32
      %dma_start3A = arith.constant 0 : i32
      %dma_start3A_150 = arith.constant 0 : i32
      %dma_start3A_151 = tpu.memref_slice %arg8[%dma_start3A, %dma_start3A_150] : memref<65536x16xf32, #tpu.memory_space<hbm>> -> memref<65536x16xf32, #tpu.memory_space<hbm>>
      tpu.enqueue_indirect_dma source(%dma_start3A_151 : memref<65536x16xf32, #tpu.memory_space<hbm>>) target(%arg19 : memref<32x16xf32, #tpu.memory_space<vmem>>) offsets(%arg18 : memref<32xi32, #tpu.memory_space<vmem>>) semaphore(%arg20 : memref<!tpu.dma_semaphore, #tpu.memory_space<semaphore_mem>>)
      %dma_wait3A = arith.constant 0 : i32
      %dma_wait3A_152 = arith.constant 0 : i32
      %dma_wait3A_153 = tpu.memref_slice %arg8[%dma_wait3A, %dma_wait3A_152] : memref<65536x16xf32, #tpu.memory_space<hbm>> -> memref<65536x16xf32, #tpu.memory_space<hbm>>
      tpu.wait_indirect_dma semaphore(%arg20 : memref<!tpu.dma_semaphore, #tpu.memory_space<semaphore_mem>>) src(%dma_wait3A_153 : memref<65536x16xf32, #tpu.memory_space<hbm>>) dst(%arg19 : memref<32x16xf32, #tpu.memory_space<vmem>>)
      "tpu.region"() ({
        %run_scoped3A = tpu.sem_alloc : memref<!tpu.dma_semaphore, #tpu.memory_space<semaphore_mem>>
        %dma_start3A_154 = arith.constant 0 : i32
        %dma_start3A_155 = tpu.memref_slice %arg9[%mul3A_149, %dma_start3A_154] : memref<65536x16xf32, #tpu.memory_space<hbm>> -> memref<32x16xf32, #tpu.memory_space<hbm>>
        %dma_start3A_156 = arith.constant 0 : i32
        %dma_start3A_157 = tpu.memref_slice %arg9[%mul3A_149, %dma_start3A_156] : memref<65536x16xf32, #tpu.memory_space<hbm>> -> memref<32x16xf32, #tpu.memory_space<hbm>>
        tpu.enqueue_dma source(%arg19 : memref<32x16xf32, #tpu.memory_space<vmem>>) target(%dma_start3A_157 : memref<32x16xf32, #tpu.memory_space<hbm>>) target_semaphore(%run_scoped3A : memref<!tpu.dma_semaphore, #tpu.memory_space<semaphore_mem>>)
        %dma_wait3A_158 = arith.constant 0 : i32
        %dma_wait3A_159 = tpu.memref_slice %arg9[%mul3A_149, %dma_wait3A_158] : memref<65536x16xf32, #tpu.memory_space<hbm>> -> memref<32x16xf32, #tpu.memory_space<hbm>>
        %dma_wait3A_160 = arith.constant 0 : i32
        %dma_wait3A_161 = tpu.memref_slice %arg9[%mul3A_149, %dma_wait3A_160] : memref<65536x16xf32, #tpu.memory_space<hbm>> -> memref<32x16xf32, #tpu.memory_space<hbm>>
        tpu.wait_dma2 semaphore(%run_scoped3A : memref<!tpu.dma_semaphore, #tpu.memory_space<semaphore_mem>>) src(%arg19 : memref<32x16xf32, #tpu.memory_space<vmem>>) dst(%dma_wait3A_161 : memref<32x16xf32, #tpu.memory_space<hbm>>)
        tpu.yield
      }) : () -> ()
    }
    %scan3A_47 = arith.constant 64 : i32
    return
  }
}

module attributes {stable_mosaic.version = 14 : i64} {
  func.func @_fps_body(%arg0: memref<4x128x128xf32, #tpu.memory_space<vmem>>, %arg1: memref<4x128x128xf32, #tpu.memory_space<vmem>>, %arg2: memref<4x128x128xf32, #tpu.memory_space<vmem>>, %arg3: memref<4x512xf32, #tpu.memory_space<smem>>, %arg4: memref<4x512xf32, #tpu.memory_space<smem>>, %arg5: memref<4x512xf32, #tpu.memory_space<smem>>, %arg6: memref<4x128x128xf32, #tpu.memory_space<vmem>>) attributes {dimension_semantics = [], scalar_prefetch = 0 : i64, scratch_operands = 1 : i64, tpu.core_type = #tpu.core_type<tc>} {
    %iota3A = tpu.iota {dimensions = array<i32: 0>} : vector<128x128xi32>
    %mul3A = arith.constant 128 : i32
    %mul3A_0 = vector.broadcast %mul3A : i32 to vector<128x128xi32>
    %mul3A_1 = arith.muli %iota3A, %mul3A_0 : vector<128x128xi32>
    %iota3A_2 = tpu.iota {dimensions = array<i32: 1>} : vector<128x128xi32>
    %add3A = arith.addi %mul3A_1, %iota3A_2 : vector<128x128xi32>
    %broadcast_in_dim3A = arith.constant 1.000000e+10 : f32
    %broadcast_in_dim3A_3 = vector.broadcast %broadcast_in_dim3A : f32 to vector<4x128x128xf32>
    %swap3A = arith.constant 0 : index
    %swap3A_4 = arith.constant 0 : index
    %swap3A_5 = arith.constant 0 : index
    %swap3A_6 = vector.load %arg6[%swap3A, %swap3A_4, %swap3A_5] : memref<4x128x128xf32, #tpu.memory_space<vmem>>, vector<4x128x128xf32>
    tpu.vector_store %arg6[%swap3A, %swap3A_4, %swap3A_5], %broadcast_in_dim3A_3 {strides = array<i32>} : memref<4x128x128xf32, #tpu.memory_space<vmem>>, vector<4x128x128xf32>,
    %get3A = arith.constant 0 : index
    %get3A_7 = arith.constant 0 : index
    %get3A_8 = arith.constant 0 : index
    %get3A_9 = vector.load %arg0[%get3A, %get3A_7, %get3A_8] : memref<4x128x128xf32, #tpu.memory_space<vmem>>, vector<4x128x128xf32>
    %get3A_10 = arith.constant 0 : index
    %get3A_11 = arith.constant 0 : index
    %get3A_12 = arith.constant 0 : index
    %get3A_13 = vector.load %arg1[%get3A_10, %get3A_11, %get3A_12] : memref<4x128x128xf32, #tpu.memory_space<vmem>>, vector<4x128x128xf32>
    %get3A_14 = arith.constant 0 : index
    %get3A_15 = arith.constant 0 : index
    %get3A_16 = arith.constant 0 : index
    %get3A_17 = vector.load %arg2[%get3A_14, %get3A_15, %get3A_16] : memref<4x128x128xf32, #tpu.memory_space<vmem>>, vector<4x128x128xf32>
    %broadcast_in_dim3A_18 = arith.constant 0 : i32
    %broadcast_in_dim3A_19 = vector.broadcast %broadcast_in_dim3A_18 : i32 to vector<4x1x1xi32>
    %scan3A = arith.constant 0 : i32
    %scan3A_20 = arith.constant 512 : i32
    %scan3A_21 = arith.addi %scan3A, %scan3A_20 : i32
    %scan3A_22 = arith.constant 1 : i32
    %scan3A_23 = scf.for %scan3A_25 = %scan3A to %scan3A_21 step %scan3A_22 iter_args(%scan3A_26 = %broadcast_in_dim3A_19) -> (vector<4x1x1xi32>)  : i32 {
      %broadcast_in_dim3A_27 = vector.shape_cast %add3A : vector<128x128xi32> to vector<1x128x128xi32>
      %eq3A = vector.broadcast %broadcast_in_dim3A_27 : vector<1x128x128xi32> to vector<4x128x128xi32>
      %eq3A_28 = vector.broadcast %scan3A_26 : vector<4x1x1xi32> to vector<4x128x128xi32>
      %eq3A_29 = arith.cmpi eq, %eq3A, %eq3A_28 : vector<4x128x128xi32>
      %jit3A = arith.constant 0.000000e+00 : f32
      %broadcast_in_dim3A_30 = vector.broadcast %jit3A : f32 to vector<4x128x128xf32>
      %select_n3A = arith.select %eq3A_29, %get3A_9, %broadcast_in_dim3A_30 : vector<4x128x128xi1>, vector<4x128x128xf32>
      %reduce_sum3A = arith.constant dense<0.000000e+00> : vector<4xf32>
      %reduce_sum3A_31 = vector.multi_reduction <add>, %select_n3A, %reduce_sum3A [1, 2] : vector<4x128x128xf32> to vector<4xf32>
      %broadcast_in_dim3A_32 = vector.shape_cast %reduce_sum3A_31 : vector<4xf32> to vector<4x1x1xf32>
      %jit3A_33 = arith.constant 0.000000e+00 : f32
      %broadcast_in_dim3A_34 = vector.broadcast %jit3A_33 : f32 to vector<4x128x128xf32>
      %select_n3A_35 = arith.select %eq3A_29, %get3A_13, %broadcast_in_dim3A_34 : vector<4x128x128xi1>, vector<4x128x128xf32>
      %reduce_sum3A_36 = arith.constant dense<0.000000e+00> : vector<4xf32>
      %reduce_sum3A_37 = vector.multi_reduction <add>, %select_n3A_35, %reduce_sum3A_36 [1, 2] : vector<4x128x128xf32> to vector<4xf32>
      %broadcast_in_dim3A_38 = vector.shape_cast %reduce_sum3A_37 : vector<4xf32> to vector<4x1x1xf32>
      %jit3A_39 = arith.constant 0.000000e+00 : f32
      %broadcast_in_dim3A_40 = vector.broadcast %jit3A_39 : f32 to vector<4x128x128xf32>
      %select_n3A_41 = arith.select %eq3A_29, %get3A_17, %broadcast_in_dim3A_40 : vector<4x128x128xi1>, vector<4x128x128xf32>
      %reduce_sum3A_42 = arith.constant dense<0.000000e+00> : vector<4xf32>
      %reduce_sum3A_43 = vector.multi_reduction <add>, %select_n3A_41, %reduce_sum3A_42 [1, 2] : vector<4x128x128xf32> to vector<4xf32>
      %broadcast_in_dim3A_44 = vector.shape_cast %reduce_sum3A_43 : vector<4xf32> to vector<4x1x1xf32>
      %slice3A = vector.extract_strided_slice %broadcast_in_dim3A_32 {offsets = [0, 0, 0], sizes = [1, 1, 1], strides = [1, 1, 1]} : vector<4x1x1xf32> to vector<1x1x1xf32>
      %squeeze3A = vector.shape_cast %slice3A : vector<1x1x1xf32> to vector<1x1xf32>
      %reduce_sum3A_45 = vector.shape_cast %squeeze3A : vector<1x1xf32> to vector<1x1x1xf32>
      %reduce_sum3A_46 = arith.constant dense<0.000000e+00> : vector<1xf32>
      %reduce_sum3A_47 = vector.multi_reduction <add>, %reduce_sum3A_45, %reduce_sum3A_46 [1, 2] : vector<1x1x1xf32> to vector<1xf32>
      %reduce_sum3A_48 = vector.shape_cast %reduce_sum3A_47 : vector<1xf32> to vector<1x1x1xf32>
      %reduce_sum3A_49 = vector.extract %reduce_sum3A_48[0, 0, 0] : f32 from vector<1x1x1xf32>
      %swap3A_50 = arith.constant 0 : index
      %swap3A_51 = arith.index_cast %scan3A_25 : i32 to index
      %swap3A_52 = memref.load %arg3[%swap3A_50, %swap3A_51] : memref<4x512xf32, #tpu.memory_space<smem>>
      memref.store %reduce_sum3A_49, %arg3[%swap3A_50, %swap3A_51] : memref<4x512xf32, #tpu.memory_space<smem>>
      %slice3A_53 = vector.extract_strided_slice %broadcast_in_dim3A_38 {offsets = [0, 0, 0], sizes = [1, 1, 1], strides = [1, 1, 1]} : vector<4x1x1xf32> to vector<1x1x1xf32>
      %squeeze3A_54 = vector.shape_cast %slice3A_53 : vector<1x1x1xf32> to vector<1x1xf32>
      %reduce_sum3A_55 = vector.shape_cast %squeeze3A_54 : vector<1x1xf32> to vector<1x1x1xf32>
      %reduce_sum3A_56 = arith.constant dense<0.000000e+00> : vector<1xf32>
      %reduce_sum3A_57 = vector.multi_reduction <add>, %reduce_sum3A_55, %reduce_sum3A_56 [1, 2] : vector<1x1x1xf32> to vector<1xf32>
      %reduce_sum3A_58 = vector.shape_cast %reduce_sum3A_57 : vector<1xf32> to vector<1x1x1xf32>
      %reduce_sum3A_59 = vector.extract %reduce_sum3A_58[0, 0, 0] : f32 from vector<1x1x1xf32>
      %swap3A_60 = arith.constant 0 : index
      %swap3A_61 = arith.index_cast %scan3A_25 : i32 to index
      %swap3A_62 = memref.load %arg4[%swap3A_60, %swap3A_61] : memref<4x512xf32, #tpu.memory_space<smem>>
      memref.store %reduce_sum3A_59, %arg4[%swap3A_60, %swap3A_61] : memref<4x512xf32, #tpu.memory_space<smem>>
      %slice3A_63 = vector.extract_strided_slice %broadcast_in_dim3A_44 {offsets = [0, 0, 0], sizes = [1, 1, 1], strides = [1, 1, 1]} : vector<4x1x1xf32> to vector<1x1x1xf32>
      %squeeze3A_64 = vector.shape_cast %slice3A_63 : vector<1x1x1xf32> to vector<1x1xf32>
      %reduce_sum3A_65 = vector.shape_cast %squeeze3A_64 : vector<1x1xf32> to vector<1x1x1xf32>
      %reduce_sum3A_66 = arith.constant dense<0.000000e+00> : vector<1xf32>
      %reduce_sum3A_67 = vector.multi_reduction <add>, %reduce_sum3A_65, %reduce_sum3A_66 [1, 2] : vector<1x1x1xf32> to vector<1xf32>
      %reduce_sum3A_68 = vector.shape_cast %reduce_sum3A_67 : vector<1xf32> to vector<1x1x1xf32>
      %reduce_sum3A_69 = vector.extract %reduce_sum3A_68[0, 0, 0] : f32 from vector<1x1x1xf32>
      %swap3A_70 = arith.constant 0 : index
      %swap3A_71 = arith.index_cast %scan3A_25 : i32 to index
      %swap3A_72 = memref.load %arg5[%swap3A_70, %swap3A_71] : memref<4x512xf32, #tpu.memory_space<smem>>
      memref.store %reduce_sum3A_69, %arg5[%swap3A_70, %swap3A_71] : memref<4x512xf32, #tpu.memory_space<smem>>
      %slice3A_73 = vector.extract_strided_slice %broadcast_in_dim3A_32 {offsets = [1, 0, 0], sizes = [1, 1, 1], strides = [1, 1, 1]} : vector<4x1x1xf32> to vector<1x1x1xf32>
      %squeeze3A_74 = vector.shape_cast %slice3A_73 : vector<1x1x1xf32> to vector<1x1xf32>
      %reduce_sum3A_75 = vector.shape_cast %squeeze3A_74 : vector<1x1xf32> to vector<1x1x1xf32>
      %reduce_sum3A_76 = arith.constant dense<0.000000e+00> : vector<1xf32>
      %reduce_sum3A_77 = vector.multi_reduction <add>, %reduce_sum3A_75, %reduce_sum3A_76 [1, 2] : vector<1x1x1xf32> to vector<1xf32>
      %reduce_sum3A_78 = vector.shape_cast %reduce_sum3A_77 : vector<1xf32> to vector<1x1x1xf32>
      %reduce_sum3A_79 = vector.extract %reduce_sum3A_78[0, 0, 0] : f32 from vector<1x1x1xf32>
      %swap3A_80 = arith.constant 1 : index
      %swap3A_81 = arith.index_cast %scan3A_25 : i32 to index
      %swap3A_82 = memref.load %arg3[%swap3A_80, %swap3A_81] : memref<4x512xf32, #tpu.memory_space<smem>>
      memref.store %reduce_sum3A_79, %arg3[%swap3A_80, %swap3A_81] : memref<4x512xf32, #tpu.memory_space<smem>>
      %slice3A_83 = vector.extract_strided_slice %broadcast_in_dim3A_38 {offsets = [1, 0, 0], sizes = [1, 1, 1], strides = [1, 1, 1]} : vector<4x1x1xf32> to vector<1x1x1xf32>
      %squeeze3A_84 = vector.shape_cast %slice3A_83 : vector<1x1x1xf32> to vector<1x1xf32>
      %reduce_sum3A_85 = vector.shape_cast %squeeze3A_84 : vector<1x1xf32> to vector<1x1x1xf32>
      %reduce_sum3A_86 = arith.constant dense<0.000000e+00> : vector<1xf32>
      %reduce_sum3A_87 = vector.multi_reduction <add>, %reduce_sum3A_85, %reduce_sum3A_86 [1, 2] : vector<1x1x1xf32> to vector<1xf32>
      %reduce_sum3A_88 = vector.shape_cast %reduce_sum3A_87 : vector<1xf32> to vector<1x1x1xf32>
      %reduce_sum3A_89 = vector.extract %reduce_sum3A_88[0, 0, 0] : f32 from vector<1x1x1xf32>
      %swap3A_90 = arith.constant 1 : index
      %swap3A_91 = arith.index_cast %scan3A_25 : i32 to index
      %swap3A_92 = memref.load %arg4[%swap3A_90, %swap3A_91] : memref<4x512xf32, #tpu.memory_space<smem>>
      memref.store %reduce_sum3A_89, %arg4[%swap3A_90, %swap3A_91] : memref<4x512xf32, #tpu.memory_space<smem>>
      %slice3A_93 = vector.extract_strided_slice %broadcast_in_dim3A_44 {offsets = [1, 0, 0], sizes = [1, 1, 1], strides = [1, 1, 1]} : vector<4x1x1xf32> to vector<1x1x1xf32>
      %squeeze3A_94 = vector.shape_cast %slice3A_93 : vector<1x1x1xf32> to vector<1x1xf32>
      %reduce_sum3A_95 = vector.shape_cast %squeeze3A_94 : vector<1x1xf32> to vector<1x1x1xf32>
      %reduce_sum3A_96 = arith.constant dense<0.000000e+00> : vector<1xf32>
      %reduce_sum3A_97 = vector.multi_reduction <add>, %reduce_sum3A_95, %reduce_sum3A_96 [1, 2] : vector<1x1x1xf32> to vector<1xf32>
      %reduce_sum3A_98 = vector.shape_cast %reduce_sum3A_97 : vector<1xf32> to vector<1x1x1xf32>
      %reduce_sum3A_99 = vector.extract %reduce_sum3A_98[0, 0, 0] : f32 from vector<1x1x1xf32>
      %swap3A_100 = arith.constant 1 : index
      %swap3A_101 = arith.index_cast %scan3A_25 : i32 to index
      %swap3A_102 = memref.load %arg5[%swap3A_100, %swap3A_101] : memref<4x512xf32, #tpu.memory_space<smem>>
      memref.store %reduce_sum3A_99, %arg5[%swap3A_100, %swap3A_101] : memref<4x512xf32, #tpu.memory_space<smem>>
      %slice3A_103 = vector.extract_strided_slice %broadcast_in_dim3A_32 {offsets = [2, 0, 0], sizes = [1, 1, 1], strides = [1, 1, 1]} : vector<4x1x1xf32> to vector<1x1x1xf32>
      %squeeze3A_104 = vector.shape_cast %slice3A_103 : vector<1x1x1xf32> to vector<1x1xf32>
      %reduce_sum3A_105 = vector.shape_cast %squeeze3A_104 : vector<1x1xf32> to vector<1x1x1xf32>
      %reduce_sum3A_106 = arith.constant dense<0.000000e+00> : vector<1xf32>
      %reduce_sum3A_107 = vector.multi_reduction <add>, %reduce_sum3A_105, %reduce_sum3A_106 [1, 2] : vector<1x1x1xf32> to vector<1xf32>
      %reduce_sum3A_108 = vector.shape_cast %reduce_sum3A_107 : vector<1xf32> to vector<1x1x1xf32>
      %reduce_sum3A_109 = vector.extract %reduce_sum3A_108[0, 0, 0] : f32 from vector<1x1x1xf32>
      %swap3A_110 = arith.constant 2 : index
      %swap3A_111 = arith.index_cast %scan3A_25 : i32 to index
      %swap3A_112 = memref.load %arg3[%swap3A_110, %swap3A_111] : memref<4x512xf32, #tpu.memory_space<smem>>
      memref.store %reduce_sum3A_109, %arg3[%swap3A_110, %swap3A_111] : memref<4x512xf32, #tpu.memory_space<smem>>
      %slice3A_113 = vector.extract_strided_slice %broadcast_in_dim3A_38 {offsets = [2, 0, 0], sizes = [1, 1, 1], strides = [1, 1, 1]} : vector<4x1x1xf32> to vector<1x1x1xf32>
      %squeeze3A_114 = vector.shape_cast %slice3A_113 : vector<1x1x1xf32> to vector<1x1xf32>
      %reduce_sum3A_115 = vector.shape_cast %squeeze3A_114 : vector<1x1xf32> to vector<1x1x1xf32>
      %reduce_sum3A_116 = arith.constant dense<0.000000e+00> : vector<1xf32>
      %reduce_sum3A_117 = vector.multi_reduction <add>, %reduce_sum3A_115, %reduce_sum3A_116 [1, 2] : vector<1x1x1xf32> to vector<1xf32>
      %reduce_sum3A_118 = vector.shape_cast %reduce_sum3A_117 : vector<1xf32> to vector<1x1x1xf32>
      %reduce_sum3A_119 = vector.extract %reduce_sum3A_118[0, 0, 0] : f32 from vector<1x1x1xf32>
      %swap3A_120 = arith.constant 2 : index
      %swap3A_121 = arith.index_cast %scan3A_25 : i32 to index
      %swap3A_122 = memref.load %arg4[%swap3A_120, %swap3A_121] : memref<4x512xf32, #tpu.memory_space<smem>>
      memref.store %reduce_sum3A_119, %arg4[%swap3A_120, %swap3A_121] : memref<4x512xf32, #tpu.memory_space<smem>>
      %slice3A_123 = vector.extract_strided_slice %broadcast_in_dim3A_44 {offsets = [2, 0, 0], sizes = [1, 1, 1], strides = [1, 1, 1]} : vector<4x1x1xf32> to vector<1x1x1xf32>
      %squeeze3A_124 = vector.shape_cast %slice3A_123 : vector<1x1x1xf32> to vector<1x1xf32>
      %reduce_sum3A_125 = vector.shape_cast %squeeze3A_124 : vector<1x1xf32> to vector<1x1x1xf32>
      %reduce_sum3A_126 = arith.constant dense<0.000000e+00> : vector<1xf32>
      %reduce_sum3A_127 = vector.multi_reduction <add>, %reduce_sum3A_125, %reduce_sum3A_126 [1, 2] : vector<1x1x1xf32> to vector<1xf32>
      %reduce_sum3A_128 = vector.shape_cast %reduce_sum3A_127 : vector<1xf32> to vector<1x1x1xf32>
      %reduce_sum3A_129 = vector.extract %reduce_sum3A_128[0, 0, 0] : f32 from vector<1x1x1xf32>
      %swap3A_130 = arith.constant 2 : index
      %swap3A_131 = arith.index_cast %scan3A_25 : i32 to index
      %swap3A_132 = memref.load %arg5[%swap3A_130, %swap3A_131] : memref<4x512xf32, #tpu.memory_space<smem>>
      memref.store %reduce_sum3A_129, %arg5[%swap3A_130, %swap3A_131] : memref<4x512xf32, #tpu.memory_space<smem>>
      %slice3A_133 = vector.extract_strided_slice %broadcast_in_dim3A_32 {offsets = [3, 0, 0], sizes = [1, 1, 1], strides = [1, 1, 1]} : vector<4x1x1xf32> to vector<1x1x1xf32>
      %squeeze3A_134 = vector.shape_cast %slice3A_133 : vector<1x1x1xf32> to vector<1x1xf32>
      %reduce_sum3A_135 = vector.shape_cast %squeeze3A_134 : vector<1x1xf32> to vector<1x1x1xf32>
      %reduce_sum3A_136 = arith.constant dense<0.000000e+00> : vector<1xf32>
      %reduce_sum3A_137 = vector.multi_reduction <add>, %reduce_sum3A_135, %reduce_sum3A_136 [1, 2] : vector<1x1x1xf32> to vector<1xf32>
      %reduce_sum3A_138 = vector.shape_cast %reduce_sum3A_137 : vector<1xf32> to vector<1x1x1xf32>
      %reduce_sum3A_139 = vector.extract %reduce_sum3A_138[0, 0, 0] : f32 from vector<1x1x1xf32>
      %swap3A_140 = arith.constant 3 : index
      %swap3A_141 = arith.index_cast %scan3A_25 : i32 to index
      %swap3A_142 = memref.load %arg3[%swap3A_140, %swap3A_141] : memref<4x512xf32, #tpu.memory_space<smem>>
      memref.store %reduce_sum3A_139, %arg3[%swap3A_140, %swap3A_141] : memref<4x512xf32, #tpu.memory_space<smem>>
      %slice3A_143 = vector.extract_strided_slice %broadcast_in_dim3A_38 {offsets = [3, 0, 0], sizes = [1, 1, 1], strides = [1, 1, 1]} : vector<4x1x1xf32> to vector<1x1x1xf32>
      %squeeze3A_144 = vector.shape_cast %slice3A_143 : vector<1x1x1xf32> to vector<1x1xf32>
      %reduce_sum3A_145 = vector.shape_cast %squeeze3A_144 : vector<1x1xf32> to vector<1x1x1xf32>
      %reduce_sum3A_146 = arith.constant dense<0.000000e+00> : vector<1xf32>
      %reduce_sum3A_147 = vector.multi_reduction <add>, %reduce_sum3A_145, %reduce_sum3A_146 [1, 2] : vector<1x1x1xf32> to vector<1xf32>
      %reduce_sum3A_148 = vector.shape_cast %reduce_sum3A_147 : vector<1xf32> to vector<1x1x1xf32>
      %reduce_sum3A_149 = vector.extract %reduce_sum3A_148[0, 0, 0] : f32 from vector<1x1x1xf32>
      %swap3A_150 = arith.constant 3 : index
      %swap3A_151 = arith.index_cast %scan3A_25 : i32 to index
      %swap3A_152 = memref.load %arg4[%swap3A_150, %swap3A_151] : memref<4x512xf32, #tpu.memory_space<smem>>
      memref.store %reduce_sum3A_149, %arg4[%swap3A_150, %swap3A_151] : memref<4x512xf32, #tpu.memory_space<smem>>
      %slice3A_153 = vector.extract_strided_slice %broadcast_in_dim3A_44 {offsets = [3, 0, 0], sizes = [1, 1, 1], strides = [1, 1, 1]} : vector<4x1x1xf32> to vector<1x1x1xf32>
      %squeeze3A_154 = vector.shape_cast %slice3A_153 : vector<1x1x1xf32> to vector<1x1xf32>
      %reduce_sum3A_155 = vector.shape_cast %squeeze3A_154 : vector<1x1xf32> to vector<1x1x1xf32>
      %reduce_sum3A_156 = arith.constant dense<0.000000e+00> : vector<1xf32>
      %reduce_sum3A_157 = vector.multi_reduction <add>, %reduce_sum3A_155, %reduce_sum3A_156 [1, 2] : vector<1x1x1xf32> to vector<1xf32>
      %reduce_sum3A_158 = vector.shape_cast %reduce_sum3A_157 : vector<1xf32> to vector<1x1x1xf32>
      %reduce_sum3A_159 = vector.extract %reduce_sum3A_158[0, 0, 0] : f32 from vector<1x1x1xf32>
      %swap3A_160 = arith.constant 3 : index
      %swap3A_161 = arith.index_cast %scan3A_25 : i32 to index
      %swap3A_162 = memref.load %arg5[%swap3A_160, %swap3A_161] : memref<4x512xf32, #tpu.memory_space<smem>>
      memref.store %reduce_sum3A_159, %arg5[%swap3A_160, %swap3A_161] : memref<4x512xf32, #tpu.memory_space<smem>>
      %sub3A = vector.broadcast %broadcast_in_dim3A_32 : vector<4x1x1xf32> to vector<4x128x128xf32>
      %sub3A_163 = arith.subf %get3A_9, %sub3A : vector<4x128x128xf32>
      %sub3A_164 = vector.broadcast %broadcast_in_dim3A_38 : vector<4x1x1xf32> to vector<4x128x128xf32>
      %sub3A_165 = arith.subf %get3A_13, %sub3A_164 : vector<4x128x128xf32>
      %sub3A_166 = vector.broadcast %broadcast_in_dim3A_44 : vector<4x1x1xf32> to vector<4x128x128xf32>
      %sub3A_167 = arith.subf %get3A_17, %sub3A_166 : vector<4x128x128xf32>
      %mul3A_168 = arith.mulf %sub3A_163, %sub3A_163 : vector<4x128x128xf32>
      %mul3A_169 = arith.mulf %sub3A_165, %sub3A_165 : vector<4x128x128xf32>
      %add3A_170 = arith.addf %mul3A_168, %mul3A_169 : vector<4x128x128xf32>
      %mul3A_171 = arith.mulf %sub3A_167, %sub3A_167 : vector<4x128x128xf32>
      %add3A_172 = arith.addf %add3A_170, %mul3A_171 : vector<4x128x128xf32>
      %get3A_173 = arith.constant 0 : index
      %get3A_174 = arith.constant 0 : index
      %get3A_175 = arith.constant 0 : index
      %get3A_176 = vector.load %arg6[%get3A_173, %get3A_174, %get3A_175] : memref<4x128x128xf32, #tpu.memory_space<vmem>>, vector<4x128x128xf32>
      %min3A = arith.minimumf %get3A_176, %add3A_172 : vector<4x128x128xf32>
      %swap3A_177 = arith.constant 0 : index
      %swap3A_178 = arith.constant 0 : index
      %swap3A_179 = arith.constant 0 : index
      %swap3A_180 = vector.load %arg6[%swap3A_177, %swap3A_178, %swap3A_179] : memref<4x128x128xf32, #tpu.memory_space<vmem>>, vector<4x128x128xf32>
      tpu.vector_store %arg6[%swap3A_177, %swap3A_178, %swap3A_179], %min3A {strides = array<i32>} : memref<4x128x128xf32, #tpu.memory_space<vmem>>, vector<4x128x128xf32>,
      %reduce_max3A = arith.constant dense<0xFF800000> : vector<4xf32>
      %reduce_max3A_181 = vector.multi_reduction <maximumf>, %min3A, %reduce_max3A [1, 2] : vector<4x128x128xf32> to vector<4xf32>
      %broadcast_in_dim3A_182 = vector.shape_cast %reduce_max3A_181 : vector<4xf32> to vector<4x1x1xf32>
      %eq3A_183 = vector.broadcast %broadcast_in_dim3A_182 : vector<4x1x1xf32> to vector<4x128x128xf32>
      %eq3A_184 = arith.cmpf oeq, %min3A, %eq3A_183 : vector<4x128x128xf32>
      %broadcast_in_dim3A_185 = vector.shape_cast %add3A : vector<128x128xi32> to vector<1x128x128xi32>
      %jit3A_186 = arith.constant 16384 : i32
      %broadcast_in_dim3A_187 = vector.shape_cast %broadcast_in_dim3A_185 : vector<1x128x128xi32> to vector<1x128x128xi32>
      %broadcast_in_dim3A_188 = vector.broadcast %broadcast_in_dim3A_187 : vector<1x128x128xi32> to vector<4x128x128xi32>
      %broadcast_in_dim3A_189 = vector.broadcast %jit3A_186 : i32 to vector<4x128x128xi32>
      %select_n3A_190 = arith.select %eq3A_184, %broadcast_in_dim3A_188, %broadcast_in_dim3A_189 : vector<4x128x128xi1>, vector<4x128x128xi32>
      %reduce_min3A = arith.constant dense<2147483647> : vector<4xi32>
      %reduce_min3A_191 = vector.multi_reduction <minsi>, %select_n3A_190, %reduce_min3A [1, 2] : vector<4x128x128xi32> to vector<4xi32>
      %broadcast_in_dim3A_192 = vector.shape_cast %reduce_min3A_191 : vector<4xi32> to vector<4x1x1xi32>
      scf.yield %broadcast_in_dim3A_192 : vector<4x1x1xi32>
    }
    %scan3A_24 = arith.constant 512 : i32
    return
  }
}

module attributes {stable_mosaic.version = 14 : i64} {
  func.func @_mlp_body(%arg0: memref<8192x128xf32, #tpu.memory_space<vmem>>, %arg1: memref<8192x128xf32, #tpu.memory_space<vmem>>, %arg2: memref<128x256xf32, #tpu.memory_space<vmem>>, %arg3: memref<256x256xf32, #tpu.memory_space<vmem>>, %arg4: memref<256x512xf32, #tpu.memory_space<vmem>>, %arg5: memref<1x256xf32, #tpu.memory_space<vmem>>, %arg6: memref<1x256xf32, #tpu.memory_space<vmem>>, %arg7: memref<1x256xf32, #tpu.memory_space<vmem>>, %arg8: memref<1x256xf32, #tpu.memory_space<vmem>>, %arg9: memref<1x512xf32, #tpu.memory_space<vmem>>, %arg10: memref<1x512xf32, #tpu.memory_space<vmem>>, %arg11: memref<2048x64xf32, #tpu.memory_space<vmem>>) attributes {dimension_semantics = [], scalar_prefetch = 0 : i64, scratch_operands = 0 : i64, tpu.core_type = #tpu.core_type<tc>} {
    %get3A = arith.constant 0 : index
    %get3A_0 = arith.constant 0 : index
    %get3A_1 = vector.load %arg0[%get3A, %get3A_0] : memref<8192x128xf32, #tpu.memory_space<vmem>>, vector<8192x128xf32>
    %get3A_2 = arith.constant 0 : index
    %get3A_3 = arith.constant 0 : index
    %get3A_4 = vector.load %arg1[%get3A_2, %get3A_3] : memref<8192x128xf32, #tpu.memory_space<vmem>>, vector<8192x128xf32>
    %sub3A = arith.subf %get3A_1, %get3A_4 : vector<8192x128xf32>
    %get3A_5 = arith.constant 0 : index
    %get3A_6 = arith.constant 0 : index
    %get3A_7 = vector.load %arg2[%get3A_5, %get3A_6] : memref<128x256xf32, #tpu.memory_space<vmem>>, vector<128x256xf32>
    %convert_element_type3A = arith.truncf %sub3A : vector<8192x128xf32> to vector<8192x128xbf16>
    %convert_element_type3A_8 = arith.truncf %get3A_7 : vector<128x256xf32> to vector<128x256xbf16>
    %dot_general3A = arith.constant dense<0.000000e+00> : vector<8192x256xf32>
    %dot_general3A_9 = tpu.matmul %convert_element_type3A, %convert_element_type3A_8, %dot_general3A {dimension_numbers = #tpu.dot_dimension_numbers<[1], [0], [0], [1], [0, 0, 1, 1], [], []>, transpose_lhs_hint = false} : vector<8192x128xbf16>, vector<128x256xbf16>, vector<8192x256xf32> -> vector<8192x256xf32>
    %get3A_10 = arith.constant 0 : index
    %get3A_11 = arith.constant 0 : index
    %get3A_12 = vector.load %arg5[%get3A_10, %get3A_11] : memref<1x256xf32, #tpu.memory_space<vmem>>, vector<1x256xf32>
    %get3A_13 = arith.constant 0 : index
    %get3A_14 = arith.constant 0 : index
    %get3A_15 = vector.load %arg6[%get3A_13, %get3A_14] : memref<1x256xf32, #tpu.memory_space<vmem>>, vector<1x256xf32>
    %reduce_sum3A = arith.constant dense<0.000000e+00> : vector<256xf32>
    %reduce_sum3A_16 = vector.multi_reduction <add>, %dot_general3A_9, %reduce_sum3A [0] : vector<8192x256xf32> to vector<256xf32>
    %broadcast_in_dim3A = vector.shape_cast %reduce_sum3A_16 : vector<256xf32> to vector<1x256xf32>
    %slice3A = vector.extract_strided_slice %broadcast_in_dim3A {offsets = [0, 0], sizes = [1, 32], strides = [1, 1]} : vector<1x256xf32> to vector<1x32xf32>
    %add3A = arith.constant 0.000000e+00 : f32
    %add3A_17 = vector.broadcast %add3A : f32 to vector<1x32xf32>
    %add3A_18 = arith.addf %add3A_17, %slice3A : vector<1x32xf32>
    %slice3A_19 = vector.extract_strided_slice %broadcast_in_dim3A {offsets = [0, 32], sizes = [1, 32], strides = [1, 1]} : vector<1x256xf32> to vector<1x32xf32>
    %add3A_20 = arith.addf %add3A_18, %slice3A_19 : vector<1x32xf32>
    %slice3A_21 = vector.extract_strided_slice %broadcast_in_dim3A {offsets = [0, 64], sizes = [1, 32], strides = [1, 1]} : vector<1x256xf32> to vector<1x32xf32>
    %add3A_22 = arith.addf %add3A_20, %slice3A_21 : vector<1x32xf32>
    %slice3A_23 = vector.extract_strided_slice %broadcast_in_dim3A {offsets = [0, 96], sizes = [1, 32], strides = [1, 1]} : vector<1x256xf32> to vector<1x32xf32>
    %add3A_24 = arith.addf %add3A_22, %slice3A_23 : vector<1x32xf32>
    %slice3A_25 = vector.extract_strided_slice %broadcast_in_dim3A {offsets = [0, 128], sizes = [1, 32], strides = [1, 1]} : vector<1x256xf32> to vector<1x32xf32>
    %add3A_26 = arith.addf %add3A_24, %slice3A_25 : vector<1x32xf32>
    %slice3A_27 = vector.extract_strided_slice %broadcast_in_dim3A {offsets = [0, 160], sizes = [1, 32], strides = [1, 1]} : vector<1x256xf32> to vector<1x32xf32>
    %add3A_28 = arith.addf %add3A_26, %slice3A_27 : vector<1x32xf32>
    %slice3A_29 = vector.extract_strided_slice %broadcast_in_dim3A {offsets = [0, 192], sizes = [1, 32], strides = [1, 1]} : vector<1x256xf32> to vector<1x32xf32>
    %add3A_30 = arith.addf %add3A_28, %slice3A_29 : vector<1x32xf32>
    %slice3A_31 = vector.extract_strided_slice %broadcast_in_dim3A {offsets = [0, 224], sizes = [1, 32], strides = [1, 1]} : vector<1x256xf32> to vector<1x32xf32>
    %add3A_32 = arith.addf %add3A_30, %slice3A_31 : vector<1x32xf32>
    %div3A = arith.constant 6.553600e+04 : f32
    %div3A_33 = vector.broadcast %div3A : f32 to vector<1x32xf32>
    %div3A_34 = arith.divf %add3A_32, %div3A_33 : vector<1x32xf32>
    %concatenate3A = tpu.concatenate %div3A_34, %div3A_34, %div3A_34, %div3A_34, %div3A_34, %div3A_34, %div3A_34, %div3A_34 in 1 : vector<1x32xf32>, vector<1x32xf32>, vector<1x32xf32>, vector<1x32xf32>, vector<1x32xf32>, vector<1x32xf32>, vector<1x32xf32>, vector<1x32xf32> -> vector<1x256xf32>
    %sub3A_35 = vector.broadcast %concatenate3A : vector<1x256xf32> to vector<8192x256xf32>
    %sub3A_36 = arith.subf %dot_general3A_9, %sub3A_35 : vector<8192x256xf32>
    %mul3A = arith.mulf %sub3A_36, %sub3A_36 : vector<8192x256xf32>
    %reduce_sum3A_37 = arith.constant dense<0.000000e+00> : vector<256xf32>
    %reduce_sum3A_38 = vector.multi_reduction <add>, %mul3A, %reduce_sum3A_37 [0] : vector<8192x256xf32> to vector<256xf32>
    %broadcast_in_dim3A_39 = vector.shape_cast %reduce_sum3A_38 : vector<256xf32> to vector<1x256xf32>
    %slice3A_40 = vector.extract_strided_slice %broadcast_in_dim3A_39 {offsets = [0, 0], sizes = [1, 32], strides = [1, 1]} : vector<1x256xf32> to vector<1x32xf32>
    %add3A_41 = arith.constant 0.000000e+00 : f32
    %add3A_42 = vector.broadcast %add3A_41 : f32 to vector<1x32xf32>
    %add3A_43 = arith.addf %add3A_42, %slice3A_40 : vector<1x32xf32>
    %slice3A_44 = vector.extract_strided_slice %broadcast_in_dim3A_39 {offsets = [0, 32], sizes = [1, 32], strides = [1, 1]} : vector<1x256xf32> to vector<1x32xf32>
    %add3A_45 = arith.addf %add3A_43, %slice3A_44 : vector<1x32xf32>
    %slice3A_46 = vector.extract_strided_slice %broadcast_in_dim3A_39 {offsets = [0, 64], sizes = [1, 32], strides = [1, 1]} : vector<1x256xf32> to vector<1x32xf32>
    %add3A_47 = arith.addf %add3A_45, %slice3A_46 : vector<1x32xf32>
    %slice3A_48 = vector.extract_strided_slice %broadcast_in_dim3A_39 {offsets = [0, 96], sizes = [1, 32], strides = [1, 1]} : vector<1x256xf32> to vector<1x32xf32>
    %add3A_49 = arith.addf %add3A_47, %slice3A_48 : vector<1x32xf32>
    %slice3A_50 = vector.extract_strided_slice %broadcast_in_dim3A_39 {offsets = [0, 128], sizes = [1, 32], strides = [1, 1]} : vector<1x256xf32> to vector<1x32xf32>
    %add3A_51 = arith.addf %add3A_49, %slice3A_50 : vector<1x32xf32>
    %slice3A_52 = vector.extract_strided_slice %broadcast_in_dim3A_39 {offsets = [0, 160], sizes = [1, 32], strides = [1, 1]} : vector<1x256xf32> to vector<1x32xf32>
    %add3A_53 = arith.addf %add3A_51, %slice3A_52 : vector<1x32xf32>
    %slice3A_54 = vector.extract_strided_slice %broadcast_in_dim3A_39 {offsets = [0, 192], sizes = [1, 32], strides = [1, 1]} : vector<1x256xf32> to vector<1x32xf32>
    %add3A_55 = arith.addf %add3A_53, %slice3A_54 : vector<1x32xf32>
    %slice3A_56 = vector.extract_strided_slice %broadcast_in_dim3A_39 {offsets = [0, 224], sizes = [1, 32], strides = [1, 1]} : vector<1x256xf32> to vector<1x32xf32>
    %add3A_57 = arith.addf %add3A_55, %slice3A_56 : vector<1x32xf32>
    %div3A_58 = arith.constant 6.553600e+04 : f32
    %div3A_59 = vector.broadcast %div3A_58 : f32 to vector<1x32xf32>
    %div3A_60 = arith.divf %add3A_57, %div3A_59 : vector<1x32xf32>
    %concatenate3A_61 = tpu.concatenate %div3A_60, %div3A_60, %div3A_60, %div3A_60, %div3A_60, %div3A_60, %div3A_60, %div3A_60 in 1 : vector<1x32xf32>, vector<1x32xf32>, vector<1x32xf32>, vector<1x32xf32>, vector<1x32xf32>, vector<1x32xf32>, vector<1x32xf32>, vector<1x32xf32> -> vector<1x256xf32>
    %add3A_62 = arith.constant 9.99999974E-6 : f32
    %add3A_63 = vector.broadcast %add3A_62 : f32 to vector<1x256xf32>
    %add3A_64 = arith.addf %concatenate3A_61, %add3A_63 : vector<1x256xf32>
    %sqrt3A = math.sqrt %add3A_64 : vector<1x256xf32>
    %div3A_65 = vector.broadcast %sqrt3A : vector<1x256xf32> to vector<8192x256xf32>
    %div3A_66 = arith.divf %sub3A_36, %div3A_65 : vector<8192x256xf32>
    %mul3A_67 = vector.broadcast %get3A_12 : vector<1x256xf32> to vector<8192x256xf32>
    %mul3A_68 = arith.mulf %div3A_66, %mul3A_67 : vector<8192x256xf32>
    %add3A_69 = vector.broadcast %get3A_15 : vector<1x256xf32> to vector<8192x256xf32>
    %add3A_70 = arith.addf %mul3A_68, %add3A_69 : vector<8192x256xf32>
    %max3A = arith.constant 0.000000e+00 : f32
    %max3A_71 = vector.broadcast %max3A : f32 to vector<8192x256xf32>
    %max3A_72 = arith.maximumf %add3A_70, %max3A_71 : vector<8192x256xf32>
    %get3A_73 = arith.constant 0 : index
    %get3A_74 = arith.constant 0 : index
    %get3A_75 = vector.load %arg3[%get3A_73, %get3A_74] : memref<256x256xf32, #tpu.memory_space<vmem>>, vector<256x256xf32>
    %convert_element_type3A_76 = arith.truncf %max3A_72 : vector<8192x256xf32> to vector<8192x256xbf16>
    %convert_element_type3A_77 = arith.truncf %get3A_75 : vector<256x256xf32> to vector<256x256xbf16>
    %dot_general3A_78 = arith.constant dense<0.000000e+00> : vector<8192x256xf32>
    %dot_general3A_79 = tpu.matmul %convert_element_type3A_76, %convert_element_type3A_77, %dot_general3A_78 {dimension_numbers = #tpu.dot_dimension_numbers<[1], [0], [0], [1], [0, 0, 1, 1], [], []>, transpose_lhs_hint = false} : vector<8192x256xbf16>, vector<256x256xbf16>, vector<8192x256xf32> -> vector<8192x256xf32>
    %get3A_80 = arith.constant 0 : index
    %get3A_81 = arith.constant 0 : index
    %get3A_82 = vector.load %arg7[%get3A_80, %get3A_81] : memref<1x256xf32, #tpu.memory_space<vmem>>, vector<1x256xf32>
    %get3A_83 = arith.constant 0 : index
    %get3A_84 = arith.constant 0 : index
    %get3A_85 = vector.load %arg8[%get3A_83, %get3A_84] : memref<1x256xf32, #tpu.memory_space<vmem>>, vector<1x256xf32>
    %reduce_sum3A_86 = arith.constant dense<0.000000e+00> : vector<256xf32>
    %reduce_sum3A_87 = vector.multi_reduction <add>, %dot_general3A_79, %reduce_sum3A_86 [0] : vector<8192x256xf32> to vector<256xf32>
    %broadcast_in_dim3A_88 = vector.shape_cast %reduce_sum3A_87 : vector<256xf32> to vector<1x256xf32>
    %slice3A_89 = vector.extract_strided_slice %broadcast_in_dim3A_88 {offsets = [0, 0], sizes = [1, 32], strides = [1, 1]} : vector<1x256xf32> to vector<1x32xf32>
    %add3A_90 = arith.constant 0.000000e+00 : f32
    %add3A_91 = vector.broadcast %add3A_90 : f32 to vector<1x32xf32>
    %add3A_92 = arith.addf %add3A_91, %slice3A_89 : vector<1x32xf32>
    %slice3A_93 = vector.extract_strided_slice %broadcast_in_dim3A_88 {offsets = [0, 32], sizes = [1, 32], strides = [1, 1]} : vector<1x256xf32> to vector<1x32xf32>
    %add3A_94 = arith.addf %add3A_92, %slice3A_93 : vector<1x32xf32>
    %slice3A_95 = vector.extract_strided_slice %broadcast_in_dim3A_88 {offsets = [0, 64], sizes = [1, 32], strides = [1, 1]} : vector<1x256xf32> to vector<1x32xf32>
    %add3A_96 = arith.addf %add3A_94, %slice3A_95 : vector<1x32xf32>
    %slice3A_97 = vector.extract_strided_slice %broadcast_in_dim3A_88 {offsets = [0, 96], sizes = [1, 32], strides = [1, 1]} : vector<1x256xf32> to vector<1x32xf32>
    %add3A_98 = arith.addf %add3A_96, %slice3A_97 : vector<1x32xf32>
    %slice3A_99 = vector.extract_strided_slice %broadcast_in_dim3A_88 {offsets = [0, 128], sizes = [1, 32], strides = [1, 1]} : vector<1x256xf32> to vector<1x32xf32>
    %add3A_100 = arith.addf %add3A_98, %slice3A_99 : vector<1x32xf32>
    %slice3A_101 = vector.extract_strided_slice %broadcast_in_dim3A_88 {offsets = [0, 160], sizes = [1, 32], strides = [1, 1]} : vector<1x256xf32> to vector<1x32xf32>
    %add3A_102 = arith.addf %add3A_100, %slice3A_101 : vector<1x32xf32>
    %slice3A_103 = vector.extract_strided_slice %broadcast_in_dim3A_88 {offsets = [0, 192], sizes = [1, 32], strides = [1, 1]} : vector<1x256xf32> to vector<1x32xf32>
    %add3A_104 = arith.addf %add3A_102, %slice3A_103 : vector<1x32xf32>
    %slice3A_105 = vector.extract_strided_slice %broadcast_in_dim3A_88 {offsets = [0, 224], sizes = [1, 32], strides = [1, 1]} : vector<1x256xf32> to vector<1x32xf32>
    %add3A_106 = arith.addf %add3A_104, %slice3A_105 : vector<1x32xf32>
    %div3A_107 = arith.constant 6.553600e+04 : f32
    %div3A_108 = vector.broadcast %div3A_107 : f32 to vector<1x32xf32>
    %div3A_109 = arith.divf %add3A_106, %div3A_108 : vector<1x32xf32>
    %concatenate3A_110 = tpu.concatenate %div3A_109, %div3A_109, %div3A_109, %div3A_109, %div3A_109, %div3A_109, %div3A_109, %div3A_109 in 1 : vector<1x32xf32>, vector<1x32xf32>, vector<1x32xf32>, vector<1x32xf32>, vector<1x32xf32>, vector<1x32xf32>, vector<1x32xf32>, vector<1x32xf32> -> vector<1x256xf32>
    %sub3A_111 = vector.broadcast %concatenate3A_110 : vector<1x256xf32> to vector<8192x256xf32>
    %sub3A_112 = arith.subf %dot_general3A_79, %sub3A_111 : vector<8192x256xf32>
    %mul3A_113 = arith.mulf %sub3A_112, %sub3A_112 : vector<8192x256xf32>
    %reduce_sum3A_114 = arith.constant dense<0.000000e+00> : vector<256xf32>
    %reduce_sum3A_115 = vector.multi_reduction <add>, %mul3A_113, %reduce_sum3A_114 [0] : vector<8192x256xf32> to vector<256xf32>
    %broadcast_in_dim3A_116 = vector.shape_cast %reduce_sum3A_115 : vector<256xf32> to vector<1x256xf32>
    %slice3A_117 = vector.extract_strided_slice %broadcast_in_dim3A_116 {offsets = [0, 0], sizes = [1, 32], strides = [1, 1]} : vector<1x256xf32> to vector<1x32xf32>
    %add3A_118 = arith.constant 0.000000e+00 : f32
    %add3A_119 = vector.broadcast %add3A_118 : f32 to vector<1x32xf32>
    %add3A_120 = arith.addf %add3A_119, %slice3A_117 : vector<1x32xf32>
    %slice3A_121 = vector.extract_strided_slice %broadcast_in_dim3A_116 {offsets = [0, 32], sizes = [1, 32], strides = [1, 1]} : vector<1x256xf32> to vector<1x32xf32>
    %add3A_122 = arith.addf %add3A_120, %slice3A_121 : vector<1x32xf32>
    %slice3A_123 = vector.extract_strided_slice %broadcast_in_dim3A_116 {offsets = [0, 64], sizes = [1, 32], strides = [1, 1]} : vector<1x256xf32> to vector<1x32xf32>
    %add3A_124 = arith.addf %add3A_122, %slice3A_123 : vector<1x32xf32>
    %slice3A_125 = vector.extract_strided_slice %broadcast_in_dim3A_116 {offsets = [0, 96], sizes = [1, 32], strides = [1, 1]} : vector<1x256xf32> to vector<1x32xf32>
    %add3A_126 = arith.addf %add3A_124, %slice3A_125 : vector<1x32xf32>
    %slice3A_127 = vector.extract_strided_slice %broadcast_in_dim3A_116 {offsets = [0, 128], sizes = [1, 32], strides = [1, 1]} : vector<1x256xf32> to vector<1x32xf32>
    %add3A_128 = arith.addf %add3A_126, %slice3A_127 : vector<1x32xf32>
    %slice3A_129 = vector.extract_strided_slice %broadcast_in_dim3A_116 {offsets = [0, 160], sizes = [1, 32], strides = [1, 1]} : vector<1x256xf32> to vector<1x32xf32>
    %add3A_130 = arith.addf %add3A_128, %slice3A_129 : vector<1x32xf32>
    %slice3A_131 = vector.extract_strided_slice %broadcast_in_dim3A_116 {offsets = [0, 192], sizes = [1, 32], strides = [1, 1]} : vector<1x256xf32> to vector<1x32xf32>
    %add3A_132 = arith.addf %add3A_130, %slice3A_131 : vector<1x32xf32>
    %slice3A_133 = vector.extract_strided_slice %broadcast_in_dim3A_116 {offsets = [0, 224], sizes = [1, 32], strides = [1, 1]} : vector<1x256xf32> to vector<1x32xf32>
    %add3A_134 = arith.addf %add3A_132, %slice3A_133 : vector<1x32xf32>
    %div3A_135 = arith.constant 6.553600e+04 : f32
    %div3A_136 = vector.broadcast %div3A_135 : f32 to vector<1x32xf32>
    %div3A_137 = arith.divf %add3A_134, %div3A_136 : vector<1x32xf32>
    %concatenate3A_138 = tpu.concatenate %div3A_137, %div3A_137, %div3A_137, %div3A_137, %div3A_137, %div3A_137, %div3A_137, %div3A_137 in 1 : vector<1x32xf32>, vector<1x32xf32>, vector<1x32xf32>, vector<1x32xf32>, vector<1x32xf32>, vector<1x32xf32>, vector<1x32xf32>, vector<1x32xf32> -> vector<1x256xf32>
    %add3A_139 = arith.constant 9.99999974E-6 : f32
    %add3A_140 = vector.broadcast %add3A_139 : f32 to vector<1x256xf32>
    %add3A_141 = arith.addf %concatenate3A_138, %add3A_140 : vector<1x256xf32>
    %sqrt3A_142 = math.sqrt %add3A_141 : vector<1x256xf32>
    %div3A_143 = vector.broadcast %sqrt3A_142 : vector<1x256xf32> to vector<8192x256xf32>
    %div3A_144 = arith.divf %sub3A_112, %div3A_143 : vector<8192x256xf32>
    %mul3A_145 = vector.broadcast %get3A_82 : vector<1x256xf32> to vector<8192x256xf32>
    %mul3A_146 = arith.mulf %div3A_144, %mul3A_145 : vector<8192x256xf32>
    %add3A_147 = vector.broadcast %get3A_85 : vector<1x256xf32> to vector<8192x256xf32>
    %add3A_148 = arith.addf %mul3A_146, %add3A_147 : vector<8192x256xf32>
    %max3A_149 = arith.constant 0.000000e+00 : f32
    %max3A_150 = vector.broadcast %max3A_149 : f32 to vector<8192x256xf32>
    %max3A_151 = arith.maximumf %add3A_148, %max3A_150 : vector<8192x256xf32>
    %get3A_152 = arith.constant 0 : index
    %get3A_153 = arith.constant 0 : index
    %get3A_154 = vector.load %arg4[%get3A_152, %get3A_153] : memref<256x512xf32, #tpu.memory_space<vmem>>, vector<256x512xf32>
    %convert_element_type3A_155 = arith.truncf %max3A_151 : vector<8192x256xf32> to vector<8192x256xbf16>
    %convert_element_type3A_156 = arith.truncf %get3A_154 : vector<256x512xf32> to vector<256x512xbf16>
    %dot_general3A_157 = arith.constant dense<0.000000e+00> : vector<8192x512xf32>
    %dot_general3A_158 = tpu.matmul %convert_element_type3A_155, %convert_element_type3A_156, %dot_general3A_157 {dimension_numbers = #tpu.dot_dimension_numbers<[1], [0], [0], [1], [0, 0, 1, 1], [], []>, transpose_lhs_hint = false} : vector<8192x256xbf16>, vector<256x512xbf16>, vector<8192x512xf32> -> vector<8192x512xf32>
    %get3A_159 = arith.constant 0 : index
    %get3A_160 = arith.constant 0 : index
    %get3A_161 = vector.load %arg9[%get3A_159, %get3A_160] : memref<1x512xf32, #tpu.memory_space<vmem>>, vector<1x512xf32>
    %get3A_162 = arith.constant 0 : index
    %get3A_163 = arith.constant 0 : index
    %get3A_164 = vector.load %arg10[%get3A_162, %get3A_163] : memref<1x512xf32, #tpu.memory_space<vmem>>, vector<1x512xf32>
    %reduce_sum3A_165 = arith.constant dense<0.000000e+00> : vector<512xf32>
    %reduce_sum3A_166 = vector.multi_reduction <add>, %dot_general3A_158, %reduce_sum3A_165 [0] : vector<8192x512xf32> to vector<512xf32>
    %broadcast_in_dim3A_167 = vector.shape_cast %reduce_sum3A_166 : vector<512xf32> to vector<1x512xf32>
    %slice3A_168 = vector.extract_strided_slice %broadcast_in_dim3A_167 {offsets = [0, 0], sizes = [1, 64], strides = [1, 1]} : vector<1x512xf32> to vector<1x64xf32>
    %add3A_169 = arith.constant 0.000000e+00 : f32
    %add3A_170 = vector.broadcast %add3A_169 : f32 to vector<1x64xf32>
    %add3A_171 = arith.addf %add3A_170, %slice3A_168 : vector<1x64xf32>
    %slice3A_172 = vector.extract_strided_slice %broadcast_in_dim3A_167 {offsets = [0, 64], sizes = [1, 64], strides = [1, 1]} : vector<1x512xf32> to vector<1x64xf32>
    %add3A_173 = arith.addf %add3A_171, %slice3A_172 : vector<1x64xf32>
    %slice3A_174 = vector.extract_strided_slice %broadcast_in_dim3A_167 {offsets = [0, 128], sizes = [1, 64], strides = [1, 1]} : vector<1x512xf32> to vector<1x64xf32>
    %add3A_175 = arith.addf %add3A_173, %slice3A_174 : vector<1x64xf32>
    %slice3A_176 = vector.extract_strided_slice %broadcast_in_dim3A_167 {offsets = [0, 192], sizes = [1, 64], strides = [1, 1]} : vector<1x512xf32> to vector<1x64xf32>
    %add3A_177 = arith.addf %add3A_175, %slice3A_176 : vector<1x64xf32>
    %slice3A_178 = vector.extract_strided_slice %broadcast_in_dim3A_167 {offsets = [0, 256], sizes = [1, 64], strides = [1, 1]} : vector<1x512xf32> to vector<1x64xf32>
    %add3A_179 = arith.addf %add3A_177, %slice3A_178 : vector<1x64xf32>
    %slice3A_180 = vector.extract_strided_slice %broadcast_in_dim3A_167 {offsets = [0, 320], sizes = [1, 64], strides = [1, 1]} : vector<1x512xf32> to vector<1x64xf32>
    %add3A_181 = arith.addf %add3A_179, %slice3A_180 : vector<1x64xf32>
    %slice3A_182 = vector.extract_strided_slice %broadcast_in_dim3A_167 {offsets = [0, 384], sizes = [1, 64], strides = [1, 1]} : vector<1x512xf32> to vector<1x64xf32>
    %add3A_183 = arith.addf %add3A_181, %slice3A_182 : vector<1x64xf32>
    %slice3A_184 = vector.extract_strided_slice %broadcast_in_dim3A_167 {offsets = [0, 448], sizes = [1, 64], strides = [1, 1]} : vector<1x512xf32> to vector<1x64xf32>
    %add3A_185 = arith.addf %add3A_183, %slice3A_184 : vector<1x64xf32>
    %div3A_186 = arith.constant 6.553600e+04 : f32
    %div3A_187 = vector.broadcast %div3A_186 : f32 to vector<1x64xf32>
    %div3A_188 = arith.divf %add3A_185, %div3A_187 : vector<1x64xf32>
    %concatenate3A_189 = tpu.concatenate %div3A_188, %div3A_188, %div3A_188, %div3A_188, %div3A_188, %div3A_188, %div3A_188, %div3A_188 in 1 : vector<1x64xf32>, vector<1x64xf32>, vector<1x64xf32>, vector<1x64xf32>, vector<1x64xf32>, vector<1x64xf32>, vector<1x64xf32>, vector<1x64xf32> -> vector<1x512xf32>
    %sub3A_190 = vector.broadcast %concatenate3A_189 : vector<1x512xf32> to vector<8192x512xf32>
    %sub3A_191 = arith.subf %dot_general3A_158, %sub3A_190 : vector<8192x512xf32>
    %mul3A_192 = arith.mulf %sub3A_191, %sub3A_191 : vector<8192x512xf32>
    %reduce_sum3A_193 = arith.constant dense<0.000000e+00> : vector<512xf32>
    %reduce_sum3A_194 = vector.multi_reduction <add>, %mul3A_192, %reduce_sum3A_193 [0] : vector<8192x512xf32> to vector<512xf32>
    %broadcast_in_dim3A_195 = vector.shape_cast %reduce_sum3A_194 : vector<512xf32> to vector<1x512xf32>
    %slice3A_196 = vector.extract_strided_slice %broadcast_in_dim3A_195 {offsets = [0, 0], sizes = [1, 64], strides = [1, 1]} : vector<1x512xf32> to vector<1x64xf32>
    %add3A_197 = arith.constant 0.000000e+00 : f32
    %add3A_198 = vector.broadcast %add3A_197 : f32 to vector<1x64xf32>
    %add3A_199 = arith.addf %add3A_198, %slice3A_196 : vector<1x64xf32>
    %slice3A_200 = vector.extract_strided_slice %broadcast_in_dim3A_195 {offsets = [0, 64], sizes = [1, 64], strides = [1, 1]} : vector<1x512xf32> to vector<1x64xf32>
    %add3A_201 = arith.addf %add3A_199, %slice3A_200 : vector<1x64xf32>
    %slice3A_202 = vector.extract_strided_slice %broadcast_in_dim3A_195 {offsets = [0, 128], sizes = [1, 64], strides = [1, 1]} : vector<1x512xf32> to vector<1x64xf32>
    %add3A_203 = arith.addf %add3A_201, %slice3A_202 : vector<1x64xf32>
    %slice3A_204 = vector.extract_strided_slice %broadcast_in_dim3A_195 {offsets = [0, 192], sizes = [1, 64], strides = [1, 1]} : vector<1x512xf32> to vector<1x64xf32>
    %add3A_205 = arith.addf %add3A_203, %slice3A_204 : vector<1x64xf32>
    %slice3A_206 = vector.extract_strided_slice %broadcast_in_dim3A_195 {offsets = [0, 256], sizes = [1, 64], strides = [1, 1]} : vector<1x512xf32> to vector<1x64xf32>
    %add3A_207 = arith.addf %add3A_205, %slice3A_206 : vector<1x64xf32>
    %slice3A_208 = vector.extract_strided_slice %broadcast_in_dim3A_195 {offsets = [0, 320], sizes = [1, 64], strides = [1, 1]} : vector<1x512xf32> to vector<1x64xf32>
    %add3A_209 = arith.addf %add3A_207, %slice3A_208 : vector<1x64xf32>
    %slice3A_210 = vector.extract_strided_slice %broadcast_in_dim3A_195 {offsets = [0, 384], sizes = [1, 64], strides = [1, 1]} : vector<1x512xf32> to vector<1x64xf32>
    %add3A_211 = arith.addf %add3A_209, %slice3A_210 : vector<1x64xf32>
    %slice3A_212 = vector.extract_strided_slice %broadcast_in_dim3A_195 {offsets = [0, 448], sizes = [1, 64], strides = [1, 1]} : vector<1x512xf32> to vector<1x64xf32>
    %add3A_213 = arith.addf %add3A_211, %slice3A_212 : vector<1x64xf32>
    %div3A_214 = arith.constant 6.553600e+04 : f32
    %div3A_215 = vector.broadcast %div3A_214 : f32 to vector<1x64xf32>
    %div3A_216 = arith.divf %add3A_213, %div3A_215 : vector<1x64xf32>
    %concatenate3A_217 = tpu.concatenate %div3A_216, %div3A_216, %div3A_216, %div3A_216, %div3A_216, %div3A_216, %div3A_216, %div3A_216 in 1 : vector<1x64xf32>, vector<1x64xf32>, vector<1x64xf32>, vector<1x64xf32>, vector<1x64xf32>, vector<1x64xf32>, vector<1x64xf32>, vector<1x64xf32> -> vector<1x512xf32>
    %add3A_218 = arith.constant 9.99999974E-6 : f32
    %add3A_219 = vector.broadcast %add3A_218 : f32 to vector<1x512xf32>
    %add3A_220 = arith.addf %concatenate3A_217, %add3A_219 : vector<1x512xf32>
    %sqrt3A_221 = math.sqrt %add3A_220 : vector<1x512xf32>
    %div3A_222 = vector.broadcast %sqrt3A_221 : vector<1x512xf32> to vector<8192x512xf32>
    %div3A_223 = arith.divf %sub3A_191, %div3A_222 : vector<8192x512xf32>
    %mul3A_224 = vector.broadcast %get3A_161 : vector<1x512xf32> to vector<8192x512xf32>
    %mul3A_225 = arith.mulf %div3A_223, %mul3A_224 : vector<8192x512xf32>
    %add3A_226 = vector.broadcast %get3A_164 : vector<1x512xf32> to vector<8192x512xf32>
    %add3A_227 = arith.addf %mul3A_225, %add3A_226 : vector<8192x512xf32>
    %max3A_228 = arith.constant 0.000000e+00 : f32
    %max3A_229 = vector.broadcast %max3A_228 : f32 to vector<8192x512xf32>
    %max3A_230 = arith.maximumf %add3A_227, %max3A_229 : vector<8192x512xf32>
    %reshape3A = vector.shape_cast %max3A_230 : vector<8192x512xf32> to vector<2048x4x512xf32>
    %reduce_max3A = arith.constant dense<0xFF800000> : vector<2048x512xf32>
    %reduce_max3A_231 = vector.multi_reduction <maximumf>, %reshape3A, %reduce_max3A [1] : vector<2048x4x512xf32> to vector<2048x512xf32>
    %slice3A_232 = vector.extract_strided_slice %reduce_max3A_231 {offsets = [0, 0], sizes = [2048, 64], strides = [1, 1]} : vector<2048x512xf32> to vector<2048x64xf32>
    %slice3A_233 = vector.extract_strided_slice %reduce_max3A_231 {offsets = [0, 64], sizes = [2048, 64], strides = [1, 1]} : vector<2048x512xf32> to vector<2048x64xf32>
    %max3A_234 = arith.maximumf %slice3A_232, %slice3A_233 : vector<2048x64xf32>
    %slice3A_235 = vector.extract_strided_slice %reduce_max3A_231 {offsets = [0, 128], sizes = [2048, 64], strides = [1, 1]} : vector<2048x512xf32> to vector<2048x64xf32>
    %max3A_236 = arith.maximumf %max3A_234, %slice3A_235 : vector<2048x64xf32>
    %slice3A_237 = vector.extract_strided_slice %reduce_max3A_231 {offsets = [0, 192], sizes = [2048, 64], strides = [1, 1]} : vector<2048x512xf32> to vector<2048x64xf32>
    %max3A_238 = arith.maximumf %max3A_236, %slice3A_237 : vector<2048x64xf32>
    %slice3A_239 = vector.extract_strided_slice %reduce_max3A_231 {offsets = [0, 256], sizes = [2048, 64], strides = [1, 1]} : vector<2048x512xf32> to vector<2048x64xf32>
    %max3A_240 = arith.maximumf %max3A_238, %slice3A_239 : vector<2048x64xf32>
    %slice3A_241 = vector.extract_strided_slice %reduce_max3A_231 {offsets = [0, 320], sizes = [2048, 64], strides = [1, 1]} : vector<2048x512xf32> to vector<2048x64xf32>
    %max3A_242 = arith.maximumf %max3A_240, %slice3A_241 : vector<2048x64xf32>
    %slice3A_243 = vector.extract_strided_slice %reduce_max3A_231 {offsets = [0, 384], sizes = [2048, 64], strides = [1, 1]} : vector<2048x512xf32> to vector<2048x64xf32>
    %max3A_244 = arith.maximumf %max3A_242, %slice3A_243 : vector<2048x64xf32>
    %slice3A_245 = vector.extract_strided_slice %reduce_max3A_231 {offsets = [0, 448], sizes = [2048, 64], strides = [1, 1]} : vector<2048x512xf32> to vector<2048x64xf32>
    %max3A_246 = arith.maximumf %max3A_244, %slice3A_245 : vector<2048x64xf32>
    %swap3A = arith.constant 0 : index
    %swap3A_247 = arith.constant 0 : index
    %swap3A_248 = vector.load %arg11[%swap3A, %swap3A_247] : memref<2048x64xf32, #tpu.memory_space<vmem>>, vector<2048x64xf32>
    tpu.vector_store %arg11[%swap3A, %swap3A_247], %max3A_246 {strides = array<i32>} : memref<2048x64xf32, #tpu.memory_space<vmem>>, vector<2048x64xf32>,
    return
  }
}

</mosaic_0001>

<sc_bundles>
// kernel: kernel.5.cloned.1.call-start
scs
__scs_entry_jumppad:
0x0: {  	(pc) =	sbr.rel $0x88, $3  }
0x1: {  	(tag) =	ssettag $0x0;
	lr =	simm.s32 $0x1  }
0x2: {  	[smem:$0x3F96] =	sst lr;
	_ =	strace $0xD0000000  }
0x3: {  	_ = 	snop  }
0x4: {  	_ = 	snop  }
0x5: {  	_ = 	snop  }
0x6: {  	_ = 	snop  }
0x7: {  	_ = 	snop  }
__scs_overlays_trampoline_lowered:
0x8: {  	[smem:$0x3FA5] =	sst s0  }
0x9: {  	[smem:$0x3FA6] =	sst s1  }
0xa: {  	[smem:$0x3FA7] =	sst s2  }
0xb: {  	[smem:$0x3FA8] =	sst s3  }
0xc: {  	[smem:$0x3FA9] =	sst s4  }
0xd: {  	[smem:$0x3FAA] =	sst s5  }
0xe: {  	[smem:$0x3FAB] =	sst s6  }
0xf: {  	[smem:$0x3FAC] =	sst s7  }
0x10: {  	[smem:$0x3FAD] =	sst s8  }
0x11: {  	[smem:$0x3FAE] =	sst s9;
	s0 =	simm.s32 @!p0 $0x0  }
0x12: {  	s1 =	sld [smem:$0x3F94];
	s0 =	simm.s32 @p0 $0x1  }
0x13: {  	[smem:$0x3FAF] =	sst s0;
	s0 =	simm.s32 @!p1 $0x0  }
0x14: {  	s2 =	sld [smem:$0x3F93];
	s0 =	simm.s32 @p1 $0x1  }
0x15: {  	[smem:$0x3FB0] =	sst s0;
	s0 =	simm.s32 @!p2 $0x0  }
0x16: {  	s3 =	sld [smem:$0x3FDB];
	s0 =	simm.s32 @p2 $0x1  }
0x17: {  	s4 =	simm.s32 $0x1BF5;
	[smem:$0x3FB2] =	sst s0  }
0x18: {  	s0 =	sld [smem:$0x3F95];
	_ =	swait.ge [sflag:s4], $0x0  }
0x19: {  	s7 =	sld [smem:$0x3F96]  }
0x1a: {  	s8 =	sadd.s32 $0xFFFFE003, lr  }
0x1b: {  	s9 =	sadd.s32 $0xFFFFFEF7, lr;
	s5 =	simm.s32 $0xFFFFFFFF;
	p2 =	slt.u32 s8, $0xFFFFF086  }
0x1c: {  	p1 =	slt.u32 s9, $0xF7A;
	s5 =	simm.s32 @!p2 $0x0  }
0x1d: {  	s5 =	simm.s32 @p1 $0x1;
	p0 =	seq.s32 s7, s2  }
0x1e: {  	s7 =	smul.u32 @!p0 $0xF7A, s2;
	p2 =	seq.s32 @!p0 s5, $0x0  }
0x1f: {  	s9 =	smul.u32 $0xF7A, s1;
	s8 =	simm.s32 @!p0 $0x1BF5;
	p2 =	por !p2, p0  }
0x20: {  	[sflag:s8] =	ssyncset.s32 @!p0 $0xFFFFF086;
	s6 =	sadd.s32 @!p0 s3, s7;
	s7 =	simm.s32 @!p0 $0x108  }
0x21: {  	s3 =	sadd.s32 s3, s9;
	s6 =	sadd.s32 @!p0 $0x88, s6;
	s7 =	simm.s32 @p2 $0x1082  }
0x22: {  	[simem:s7], [sflag:s8] =	dma.local @!p0 [hbm:s6], $0xF7A  }
0x23: {  	s9 =	sor.u32 $0xD0000000, s2;
	s6 =	simm.s32 $0x108;
	_ =	swait.ge @!p0 [sflag:s8], $0x0  }
0x24: {  	s3 =	sadd.s32 $0x88, s3;
	s6 =	simm.s32 @!p1 $0x1082;
	[sflag:s4] =	ssyncset.s32 $0xFFFFF086  }
0x25: {  	[simem:s6], [sflag:s4] =	dma.local [hbm:s3], $0xF7A  }
0x26: {  	[smem:$0x3F96] =	sst s1;
	(tag) =	ssettag s2;
	_ =	strace s9  }
0x27: {  	s1 =	sld [smem:$0x3FA6]  }
0x28: {  	s2 =	sld [smem:$0x3FA7]  }
0x29: {  	s4 =	sld [smem:$0x3FA9]  }
0x2a: {  	p0 =	seq.s32 s5, $0x0;
	s5 =	sld [smem:$0x3FAA]  }
0x2b: {  	s6 =	sld [smem:$0x3FAB]  }
0x2c: {  	s7 =	sld [smem:$0x3FAC]  }
0x2d: {  	s3 =	simm.s32 $0x108;
	s8 =	sld [smem:$0x3FAD]  }
0x2e: {  	s3 =	simm.s32 @!p0 $0x1082;
	s9 =	sld [smem:$0x3FAE]  }
0x2f: {  	lr =	sadd.s32 s0, s3;
	s0 =	sld [smem:$0x3FA5]  }
0x30: {  	s3 =	sld [smem:$0x3FA8]  }
0x31: {  	[smem:$0x3FB1] =	sst s10  }
0x32: {  	s10 =	sld [smem:$0x3FAF];
	_ =	sdelay $0x3  }
0x33: {  	p0 =	seq.s32 s10, $0x1;
	s10 =	sld [smem:$0x3FB1];
	_ =	sdelay $0x3  }
0x34: {  	[smem:$0x3FB1] =	sst s10  }
0x35: {  	s10 =	sld [smem:$0x3FB0];
	_ =	sdelay $0x3  }
0x36: {  	p1 =	seq.s32 s10, $0x1;
	s10 =	sld [smem:$0x3FB1];
	_ =	sdelay $0x3  }
0x37: {  	[smem:$0x3FB1] =	sst s10  }
0x38: {  	s10 =	sld [smem:$0x3FB2]  }
0x39: {  	_ = 	snop;
	(pc) =	sbr.ind lr, $3  }
0x3a: {  	_ = 	snop  }
0x3b: {  	_ = 	snop  }
0x3c: {  	p2 =	seq.s32 s10, $0x1;
	s10 =	sld [smem:$0x3FB1]  }
0x3d: {  	_ =	shalt  }
0x3e: {  	_ =	shalt  }
0x3f: {  	_ =	shalt  }
0x40: {  	_ =	shalt  }
0x41: {  	_ =	shalt  }
0x42: {  	_ =	shalt  }
0x43: {  	_ =	shalt  }
0x44: {  	_ =	shalt  }
0x45: {  	_ =	shalt  }
0x46: {  	_ =	shalt  }
0x47: {  	_ =	shalt  }
0x48: {  	_ =	shalt  }
0x49: {  	_ =	shalt  }
0x4a: {  	_ =	shalt  }
0x4b: {  	_ =	shalt  }
0x4c: {  	_ =	shalt  }
0x4d: {  	_ =	shalt  }
0x4e: {  	_ =	shalt  }
0x4f: {  	_ =	shalt  }
0x50: {  	_ =	shalt  }
0x51: {  	_ =	shalt  }
0x52: {  	_ =	shalt  }
0x53: {  	_ =	shalt  }
0x54: {  	_ =	shalt  }
0x55: {  	_ =	shalt  }
0x56: {  	_ =	shalt  }
0x57: {  	_ =	shalt  }
0x58: {  	_ =	shalt  }
0x59: {  	_ =	shalt  }
0x5a: {  	_ =	shalt  }
0x5b: {  	_ =	shalt  }
0x5c: {  	_ =	shalt  }
0x5d: {  	_ =	shalt  }
0x5e: {  	_ =	shalt  }
0x5f: {  	_ =	shalt  }
0x60: {  	_ =	shalt  }
0x61: {  	_ =	shalt  }
0x62: {  	_ =	shalt  }
0x63: {  	_ =	shalt  }
0x64: {  	_ =	shalt  }
0x65: {  	_ =	shalt  }
0x66: {  	_ =	shalt  }
0x67: {  	_ =	shalt  }
0x68: {  	_ =	shalt  }
0x69: {  	_ =	shalt  }
0x6a: {  	_ =	shalt  }
0x6b: {  	_ =	shalt  }
0x6c: {  	_ =	shalt  }
0x6d: {  	_ =	shalt  }
0x6e: {  	_ =	shalt  }
0x6f: {  	_ =	shalt  }
0x70: {  	_ =	shalt  }
0x71: {  	_ =	shalt  }
0x72: {  	_ =	shalt  }
0x73: {  	_ =	shalt  }
0x74: {  	_ =	shalt  }
0x75: {  	_ =	shalt  }
0x76: {  	_ =	shalt  }
0x77: {  	_ =	shalt  }
0x78: {  	_ =	shalt  }
0x79: {  	_ =	shalt  }
0x7a: {  	_ =	shalt  }
0x7b: {  	_ =	shalt  }
0x7c: {  	_ =	shalt  }
0x7d: {  	_ =	shalt  }
0x7e: {  	_ =	shalt  }
0x7f: {  	_ =	shalt  }
0x80: {  	_ =	shalt  }
0x81: {  	_ =	shalt  }
0x82: {  	_ =	shalt  }
0x83: {  	_ =	shalt  }
0x84: {  	_ =	shalt  }
0x85: {  	_ =	shalt  }
0x86: {  	_ =	shalt  }
0x87: {  	_ =	shalt  }
.Lfunc_end0:
.L_simem_size_0:
called_computation_lowered:
.L_overlay_start_0:
0x88: {  	s2 =	sld [smem:$0x3FD9]  }
0x89: {  	s3 =	sld [smem:$0x3FFE];
	_ =	sdelay $0x1  }
0x8a: {  	s1 =	srdreg.scid  }
0x8b: {  	s0 =	sand.u32 $0x1, s1  }
0x8c: {  	s14 =	sshll.u32 s0, $0xA;
	s2 =	sadd.s32 s3, s2  }
0x8d: {  	s2 =	sadd.s32 s2, s14  }
0x8e: {  	[smem:$0x3FBD] =	sst s2  }
0x8f: {  	_ = 	snop  }
0x90: {  	s2 =	sld [smem:$0x3FD0];
	_ =	sdelay $0x2  }
0x91: {  	s15 =	simm.s32 $0xA;
	s4 =	simm.s32 $0x10  }
0x92: {  	[smem:s4], [sflag:s15] =	dma.local [hbm:s2], $0x1  }
0x93: {  	_ =	swait.eq [sflag:s15], $0x1  }
0x94: {  	[sflag:s15] =	ssyncset.done $0x0  }
0x95: {  	[sflag:s15] =	ssyncadd.s32 $0xFFFFFFFF  }
0x96: {  	s16 =	sld [smem:$0x11];
	(tm) =	ssettm $0x1  }
0x97: {  	s17 =	sld [smem:$0x3FFB];
	_ =	sdelay $0x3  }
0x98: {  	_ =	strace s17  }
0x99: {  	s3 =	sld [smem:$0x3FFC];
	_ =	sdelay $0x3  }
0x9a: {  	_ =	strace s3  }
0x9b: {  	s3 =	sld [smem:$0x3FFD];
	_ =	sdelay $0x3  }
0x9c: {  	_ =	strace s3  }
0x9d: {  	_ =	strace $0x8FFFFFFF  }
0x9e: {  	s18 =	sld [smem:$0x3FDB];
	_ =	sdelay $0x1  }
0x9f: {  	s19 =	simm.s32 $_scs_section_size  }
0xa0: {  	s5 =	simm.s32 $_size__tile_overlayer_lowered;
	s6 =	simm.s32 $_tile_overlayer_lowered  }
0xa1: {  	s22 =	simm.s32 $0x1BFF;
	s21 =	sshll.u32 s6, $0x1;
	s3 =	sadd.s32 s19, s18  }
0xa2: {  	s7 =	simm.s32 $0x0;
	s20 =	sshll.u32 s5, $0x1;
	s5 =	sadd.s32 s21, s3  }
0xa3: {  	[timem:s7], [sflag:s22] =	dma.local [hbm:s5], s20  }
0xa4: {  	_ =	swait.ge [sflag:s22], s20  }
0xa5: {  	s4 =	ssub.s32 $0x0, s20;
	[sflag:s22] =	ssyncset.done $0x0  }
0xa6: {  	[sflag:s22] =	ssyncadd.s32 s4;
	_ =	sdelay $0x1  }
0xa7: {  	s23 =	simm.s32 $0x1B8B  }
0xa8: {  	_ =	swait.ge [sflag:s23], $0x1  }
0xa9: {  	[sflag:s23] =	ssyncset.done $0x0  }
0xaa: {  	s25 =	simm.s32 $0x1B8E;
	s24 =	sld [smem:$0x3FFE];
	[sflag:s23] =	ssyncadd.s32 $0xFFFFFFFF  }
0xab: {  	s26 =	simm.s32 $execute0_lowered;
	[smem:$0x3FD2] =	sst s25  }
0xac: {  	s5 =	sshll.u32 s26, $0x1;
	_ =	strace $0x80000046;
	[dreg:$0x1] =	wrdreg $0xFFFFFFFF  }
0xad: {  	s28 =	simm.s32 $_size_execute0_lowered;
	s3 =	sadd.s32 s3, s5;
	[dreg:$0x0] =	wrdreg $0x0  }
0xae: {  	s5 =	sshll.u32 s28, $0x1;
	[dreg:$0x2] =	wrdreg s3  }
0xaf: {  	[dreg:$0x3] =	wrdreg s5  }
0xb0: {  	[dreg:$0x4] =	wrdreg $0xC0  }
0xb1: {  	_ =	task [dreg:s7], $0x5FFFF  }
0xb2: {  	[dreg:$0x1] =	wrdreg $0xFFFFFFFF  }
0xb3: {  	[dreg:$0x0] =	wrdreg $0x60  }
0xb4: {  	[dreg:$0x2] =	wrdreg s16  }
0xb5: {  	[dreg:$0x3] =	wrdreg s24  }
0xb6: {  	[dreg:$0x4] =	wrdreg $0x9  }
0xb7: {  	_ =	task.clear_ibuf [dreg:s7], $0x5FFFF;
	_ =	strace $0x90000046  }
0xb8: {  	s29 =	simm.s32 $0x9;
	_ =	strace $0x80000048  }
0xb9: {  	_ =	swait.ge [sflag:s29], $0x1  }
0xba: {  	[sflag:s29] =	ssyncadd.s32 $0xFFFFFFFF  }
0xbb: {  	_ =	strace $0x90000048  }
0xbc: {  	_ =	sfence  }
0xbd: {  	s30 =	sld [smem:$0x0];
	_ =	sdelay $0x2  }
0xbe: {  	s31 =	sshll.u32 s1, $0xD;
	s1 =	sshrl.u32 s1, $0x2  }
0xbf: {  	s3 =	sand.u32 $0x4000, s31;
	s1 =	sadd.s32 s1, s30  }
0xc0: {  	s0 =	sor.u32 s3, s0;
	s1 =	sshll.u32 s1, $0x11  }
0xc1: {  	s0 =	sor.u32 s1, s0  }
0xc2: {  	s0 =	sadd.s32 $0x8F2B, s0  }
0xc3: {  	[sflag:s0] =	ssyncadd.remote.s32 $0x1  }
0xc4: {  	_ =	sfence.sel $0xFFFF  }
0xc5: {  	[dreg:$0x0] =	wrdreg $0xFFFFFFFF;
	(pc) =	sbr.abs _section_cstart, $3  }
0xc6: {  	[dreg:$0x1] =	wrdreg $0xFFFFFFFF  }
0xc7: {  	_ =	task.clear_ibuf [dreg:s7], $0x2FFFF;
	_ =	strace $0x9FFFFFFF  }
0xc8: {  	(tm) =	ssettm $0x7FFFFFFF  }
0xc9: {  	_ =	shalt  }
tec
execute0_lowered:
.L_overlay_start_1:
0x0: {  	(tag) =	ssettag $0x1  }
0x1: {  	s4 =	rddreg [dreg:$0x0]  }
0x2: {  	s5 =	rddreg [dreg:$0x1]  }
0x3: {  	s2 =	simm.s32 $0x0;
	s1 =	stileid.u32;
	s3 =	srdreg.scid  }
0x4: {  	s13 =	simm.s32 $0x4000;
	s14 =	simm.s32 $0x8000;
	s15 =	simm.s32 $0x10000  }
0x5: {  	s16 =	simm.s32 $0x10400;
	s18 =	simm.s32 $0x20;
	s19 =	simm.s32 $0x10C40  }
0x6: {  	s20 =	simm.s32 $0x10C60;
	s21 =	simm.s32 $0x1;
	s22 =	simm.s32 $0x0  }
0x7: {  	s6 =	sshll.u32 s1, $0xC;
	s3 =	sand.u32 $0x1, s3;
	s7 =	sshll.u32 s1, $0x1  }
0x8: {  	[smem:$0x7FF] =	sst s2;
	s17 =	sand.u32 $0xC000, s6;
	s29 =	sor.u32 s3, s7  }
0x9: {  	_ =	strace $0x80000047;
	s31 =	ssub.s32 $0x2, s3;
	s3 =	sadd.s32 $0x8600, s5  }
0xa: {  	s30 =	sshrl.u32 s17, $0x3;
	s8 =	sshll.u32 s29, $0x7;
	s6 =	sshll.u32 s29, $0xC  }
0xb: {  	s11 =	sshrl.u32 s31, $0x1;
	v0 =	vmov s17;
	s17 =	simm.s32 $0x10800;
	s9 =	sadd.s32 s30, s5  }
0xc: {  	s10 =	sadd.s32 s8, s5;
	s12 =	sadd.s32 s6, s5;
	s11 =	ssub.s32 s31, s11  }
0xd: {  	s4 =	sadd.s32 s4, s30;
	s5 =	sadd.s32 $0x6600, s9;
	s6 =	sadd.s32 $0x4600, s9  }
0xe: {  	v1 =	vlaneseq.u32;
	s7 =	sadd.s32 $0x3600, s10;
	s8 =	sadd.s32 $0x2600, s10;
	s9 =	sadd.s32 $0x1600, s10  }
0xf: {  	v2 =	vimm.s32 $0x4000;
	v3 =	vimm.s32 $0x0;
	v4 =	vor.u32 $0x10, v1;
	s10 =	sadd.s32 $0x28600, s12;
	s11 =	smax.u32 s11, $0x1;
	s12 =	simm.s32 $0x2  }
.LBB2_1:
0x10: {  	[tilespmem:s2], [sflag:$0x2] =	stream.linear.gather [hbm4b:s4+s2], $0x4000, $0x38;
	[tilespmem:$0x10E60] =	vst v63  }
0x11: {  	_ =	swait.ge [sflag:s12], $0x4000  }
0x12: {  	[sflag:s12] =	ssyncset.done $0x0  }
0x13: {  	[sflag:s12] =	ssyncadd.s32 $0xFFFFC000  }
0x14: {  	[tilespmem:s13], [sflag:$0x2] =	stream.linear.gather [hbm4b:s5+s2], $0x4000, $0x38;
	[tilespmem:$0x10E60] =	vst v63  }
0x15: {  	_ =	swait.ge [sflag:s12], $0x4000  }
0x16: {  	[sflag:s12] =	ssyncset.done $0x0  }
0x17: {  	[sflag:s12] =	ssyncadd.s32 $0xFFFFC000  }
0x18: {  	[tilespmem:s14], [sflag:$0x2] =	stream.linear.gather [hbm4b:s6+s2], $0x4000, $0x38;
	[tilespmem:$0x10E60] =	vst v63  }
0x19: {  	_ =	swait.ge [sflag:s12], $0x4000  }
0x1a: {  	[sflag:s12] =	ssyncset.done $0x0  }
0x1b: {  	[sflag:s12] =	ssyncadd.s32 $0xFFFFC000  }
0x1c: {  	[tilespmem:s15], [sflag:$0x2] =	stream.linear.gather [hbm4b:s7+s2], $0x400, $0x38;
	[tilespmem:$0x10E60] =	vst v63  }
0x1d: {  	_ =	swait.ge [sflag:s12], $0x400  }
0x1e: {  	[sflag:s12] =	ssyncset.done $0x0  }
0x1f: {  	[sflag:s12] =	ssyncadd.s32 $0xFFFFFC00  }
0x20: {  	[tilespmem:s16], [sflag:$0x2] =	stream.linear.gather [hbm4b:s8+s2], $0x400, $0x38;
	[tilespmem:$0x10E60] =	vst v63  }
0x21: {  	_ =	swait.ge [sflag:s12], $0x400  }
0x22: {  	[sflag:s12] =	ssyncset.done $0x0  }
0x23: {  	[sflag:s12] =	ssyncadd.s32 $0xFFFFFC00  }
0x24: {  	[tilespmem:s17], [sflag:$0x2] =	stream.linear.gather [hbm4b:s9+s2], $0x400, $0x38;
	[tilespmem:$0x10E60] =	vst v63  }
0x25: {  	_ =	swait.ge [sflag:s12], $0x400  }
0x26: {  	[sflag:s12] =	ssyncset.done $0x0  }
0x27: {  	s23 =	simm.s32 $0x0;
	[sflag:s12] =	ssyncadd.s32 $0xFFFFFC00  }
0x28: {  	v5 =	vld [tilespmem:s23+$0x0];
	_ =	sdelay $0x1  }
0x29: {  	v6 =	vld [tilespmem:s23+$0x4000]  }
0x2a: {  	v7 =	vld [tilespmem:s23+$0x8000];
	_ =	sdelay $0x1  }
0x2b: {  	v8 =	vshrl.u32 v5, $0x10  }
0x2c: {  	v8 =	vand.u32 $0x1, v8  }
0x2d: {  	v9 =	vmul.f32 v5, v5;
	v10 =	vshrl.u32 v6, $0x10;
	v5 =	vadd.s32 v8, v5  }
0x2e: {  	v8 =	vand.u32 $0x1, v10;
	v10 =	vshrl.u32 v7, $0x10;
	v5 =	vadd.s32 $0x7FFF, v5  }
0x2f: {  	v8 =	vadd.s32 v8, v6;
	v10 =	vand.u32 $0x1, v10;
	v6 =	vmul.f32 v6, v6  }
0x30: {  	v5 =	vand.u32 $0xFFFF0000, v5;
	v8 =	vadd.s32 $0x7FFF, v8;
	v10 =	vadd.s32 v10, v7  }
0x31: {  	s24 =	simm.s32 $0x10;
	[tilespmem:s23+$0x0] =	vst v5;
	v8 =	vand.u32 $0xFFFF0000, v8;
	v10 =	vadd.s32 $0x7FFF, v10  }
0x32: {  	s25 =	simm.s32 $0x80;
	v7 =	vmul.f32 v7, v7;
	v6 =	vadd.f32 v6, v9;
	v5 =	vld [tilespmem:s24+$0x0];
	[tilespmem:s23+$0x4000] =	vst v8;
	v8 =	vand.u32 $0xFFFF0000, v10  }
.LBB2_2:
0x33: {  	p0 =	sne.s32 s25, $0xFFC0;
	v9 =	vld [tilespmem:s24+$0x4000];
	[tilespmem:s23+$0x8000] =	vst v8  }
0x34: {  	v8 =	vld [tilespmem:s24+$0x8000];
	v6 =	vadd.f32 v7, v6;
	_ =	sdelay $0x1  }
0x35: {  	[tilespmem:s23+$0xC000] =	vst v6;
	s23 =	smov.u32 s24  }
0x36: {  	v6 =	vmul.f32 v5, v5;
	v7 =	vshrl.u32 v5, $0x10  }
0x37: {  	v10 =	vmul.f32 v9, v9;
	v7 =	vand.u32 $0x1, v7;
	v11 =	vshrl.u32 v9, $0x10  }
.Ltmp0:
0x38: {  	v5 =	vadd.s32 v7, v5;
	v7 =	vand.u32 $0x1, v11;
	v11 =	vshrl.u32 v8, $0x10;
	(pc) =	sbr.rel @p0 .LBB2_2-.Ltmp0, $4  }
0x39: {  	v5 =	vadd.s32 $0x7FFF, v5;
	v7 =	vadd.s32 v7, v9;
	v9 =	vand.u32 $0x1, v11  }
0x3a: {  	v5 =	vand.u32 $0xFFFF0000, v5;
	v7 =	vadd.s32 $0x7FFF, v7;
	v9 =	vadd.s32 v9, v8  }
0x3b: {  	s24 =	sshra.s32 s25, $0x2;
	v6 =	vadd.f32 v10, v6;
	[tilespmem:s23+$0x0] =	vst v5;
	v10 =	vand.u32 $0xFFFF0000, v7;
	v9 =	vadd.s32 $0x7FFF, v9  }
0x3c: {  	s25 =	sadd.s32 $0x40, s25;
	v7 =	vmul.f32 v8, v8;
	v5 =	vld [tilespmem:s24+$0x0];
	[tilespmem:s23+$0x4000] =	vst v10;
	v8 =	vand.u32 $0xFFFF0000, v9  }
0x3d: {  	v9 =	vld [tilespmem:s24+$0x4000]  }
0x3e: {  	[tilespmem:s23+$0x8000] =	vst v8  }
0x3f: {  	v8 =	vld [tilespmem:s24+$0x8000];
	_ =	sdelay $0x1  }
0x40: {  	v6 =	vadd.f32 v7, v6;
	v7 =	vshrl.u32 v5, $0x10  }
0x41: {  	v10 =	vmul.f32 v5, v5;
	v7 =	vand.u32 $0x1, v7;
	v11 =	vshrl.u32 v9, $0x10  }
0x42: {  	v5 =	vadd.s32 v7, v5;
	v7 =	vmul.f32 v9, v9;
	v11 =	vand.u32 $0x1, v11  }
0x43: {  	v63 =	vshrl.u32 v8, $0x10;
	v9 =	vadd.s32 v11, v9;
	v5 =	vadd.s32 $0x7FFF, v5  }
0x44: {  	v11 =	vand.u32 $0x1, v63;
	v5 =	vand.u32 $0xFFFF0000, v5;
	v9 =	vadd.s32 $0x7FFF, v9  }
0x45: {  	[tilespmem:s23+$0xC000] =	vst v6;
	v6 =	vadd.s32 v11, v8;
	v7 =	vadd.f32 v7, v10;
	v8 =	vmul.f32 v8, v8  }
0x46: {  	[tilespmem:s24+$0x0] =	vst v5;
	v5 =	vand.u32 $0xFFFF0000, v9;
	v6 =	vadd.s32 $0x7FFF, v6  }
0x47: {  	[tilespmem:s24+$0x4000] =	vst v5;
	v5 =	vand.u32 $0xFFFF0000, v6;
	v6 =	vadd.f32 v8, v7  }
0x48: {  	[tilespmem:s24+$0x8000] =	vst v5  }
0x49: {  	s23 =	simm.s32 $0x0;
	[tilespmem:s24+$0xC000] =	vst v6  }
.LBB2_4:
0x4a: {  	s24 =	sshll.u32 s23, $0x4  }
0x4b: {  	v6 =	vld [tilespmem:s24+$0x10000]  }
0x4c: {  	v7 =	vld [tilespmem:s24+$0x10400];
	_ =	sdelay $0x1  }
0x4d: {  	v8 =	vld [tilespmem:s24+$0x10800];
	_ =	sdelay $0x2  }
0x4e: {  	v5 =	vmul.f32 v6, v6;
	v9 =	vmul.f32 v7, v7;
	_ =	sdelay $0x1  }
0x4f: {  	v5 =	vadd.f32 v9, v5;
	v9 =	vmul.f32 v8, v8  }
0x50: {  	v10 =	vshrl.u32 v7, $0x10  }
0x51: {  	v11 =	vshrl.u32 v8, $0x10;
	v5 =	vadd.f32 v9, v5;
	v9 =	vshrl.u32 v6, $0x10  }
0x52: {  	v10 =	vand.u32 $0x1, v10;
	v11 =	vand.u32 $0x1, v11;
	v9 =	vand.u32 $0x1, v9  }
0x53: {  	s25 =	simm.s32 $0x8000;
	v7 =	vadd.s32 v10, v7;
	v8 =	vadd.s32 v11, v8;
	v6 =	vadd.s32 v9, v6  }
0x54: {  	s26 =	simm.s32 $0xC000;
	s28 =	simm.s32 $0x0;
	s30 =	simm.s32 $0x0;
	v7 =	vadd.s32 $0x7FFF, v7;
	v8 =	vadd.s32 $0x7FFF, v8;
	v6 =	vadd.s32 $0x7FFF, v6  }
0x55: {  	s29 =	simm.s32 $0x0;
	s31 =	simm.s32 $0x0;
	s24 =	simm.s32 $0x4000;
	[tilespmem:$0x10C00] =	vst v2;
	v7 =	vand.u32 $0xFFFF0000, v7;
	v8 =	vand.u32 $0xFFFF0000, v8;
	v6 =	vand.u32 $0xFFFF0000, v6  }
.LBB2_5:
0x56: {  	v9 =	vld [tilespmem:s30+$0x0]  }
0x57: {  	v10 =	vld [tilespmem:s24+$0x0];
	_ =	sdelay $0x1  }
0x58: {  	v11 =	vld [tilespmem:s25+$0x0];
	_ =	sdelay $0x2  }
0x59: {  	v9 =	vmul.f32 v6, v9;
	v10 =	vmul.f32 v7, v10  }
0x5a: {  	v12 =	vld [tilespmem:s26+$0x0]  }
0x5b: {  	v9 =	vadd.f32 v10, v9;
	v10 =	vmul.f32 v8, v11;
	_ =	sdelay $0x1  }
0x5c: {  	v9 =	vadd.f32 v10, v9;
	_ =	sdelay $0x1  }
0x5d: {  	v10 =	vadd.f32 v12, v5;
	v9 =	vadd.f32 v9, v9;
	_ =	sdelay $0x1  }
0x5e: {  	v9 =	vsub.f32 v10, v9;
	_ =	sdelay $0x1  }
0x5f: {  	vm0 =	vle.f32 v9, $3.999999910e-02  }
0x60: {  	v9 =	vsel vm0, $0x1, v3  }
0x61: {  	(xrf0) =	vadd.scan.msk.s32 $0xffff, v9;
	_ =	sdelay $0x5  }
0x62: {  	v9, _, _ =	vpop (xrf0)  }
0x63: {  	(v2sf) =	vpush v9, $0xF;
	_ =	sdelay $0xe  }
0x64: {  	v9 =	vor.u32 s28, v1;
	s0 =	spop (v2sf)  }
0x65: {  	p0 =	sgt.u32 s31, $0x3FE;
	[tilespmem:s29+$0x10C00] =	vst.msk vm0, v9;
	s29 =	sadd.s32 s29, s0  }
0x66: {  	p1 =	slt.s32 @!p0 s29, $0x20  }
0x67: {  	p0 =	por p0, !p1  }
.Ltmp1:
0x68: {  	_ = 	snop;
	(pc) =	sbr.rel @!p0 .LBB2_5-.Ltmp1, $3  }
0x69: {  	_ =	sdelay $0x1  }
0x6a: {  	s31 =	sadd.s32 $0x1, s31;
	s30 =	sadd.s32 $0x10, s30;
	s24 =	sadd.s32 $0x10, s24  }
0x6b: {  	s25 =	sadd.s32 $0x10, s25;
	s26 =	sadd.s32 $0x10, s26;
	s28 =	sadd.s32 $0x10, s28  }
0x6c: {  	v5 =	vld [tilespmem:$0x10C00];
	_ =	sdelay $0x3  }
0x6d: {  	v6 =	vmov s29  }
0x6e: {  	vm0 =	vgt.s32 v6, v1;
	v7 =	vxor.u32 $0x80000000, v5  }
0x6f: {  	v7 =	vnsel vm0, $0x80004000, v7  }
0x70: {  	(xrf0) =	vmin.scan.msk.u32 $0xffff, v7;
	_ =	sdelay $0x5  }
0x71: {  	v7, _, _ =	vpop (xrf0)  }
0x72: {  	(v2sf) =	vpush v7, $0xF;
	_ =	sdelay $0xe  }
0x73: {  	v7 =	vld [tilespmem:$0x10C10];
	s0 =	spop (v2sf)  }
0x74: {  	s0 =	sxor.u32 $0x80000000, s0  }
0x75: {  	p0 =	slt.s32 s0, $0x3FFF  }
0x76: {  	s0 =	simm.s32 @!p0 $0x3FFF  }
0x77: {  	vm15 =	vgt.s32 v6, v4;
	v5 =	vnsel vm0, s0, v5  }
0x78: {  	v6 =	vnsel vm15, s0, v7;
	v5 =	vadd.s32 v0, v5  }
0x79: {  	[tilespmem:$0x10C40] =	vst v5;
	v5 =	vadd.s32 v0, v6  }
0x7a: {  	[tilespmem:$0x10C50] =	vst v5  }
0x7b: {  	[tilespmem:s20], [sflag:$0x1] =	stream.indirect.gather [hbm4b:s3+s18], $0x10, s19, s18, $0xb8;
	[tilespmem:$0x10E60] =	vst v63  }
0x7c: {  	s31 =	sshll.u32 s23, $0x6;
	s23 =	sadd.s32 $0x1, s23;
	_ =	swait.ge [sflag:s21], $0x200  }
0x7d: {  	p0 =	sne.s32 s23, $0x40;
	[sflag:s21] =	ssyncset.done $0x0  }
.Ltmp2:
0x7e: {  	s0 =	sadd.s32 s31, s10;
	[sflag:s21] =	ssyncadd.s32 $0xFFFFFE00;
	(pc) =	sbr.rel @p0 .LBB2_4-.Ltmp2, $4  }
0x7f: {  	[hbm4b:s0+s2] =	stream.linear.scatter [tilespmem:s20], [sflag:$0x2], $0x200, $0x38;
	[tilespmem:$0x10E60] =	vst v63  }
0x80: {  	_ =	swait.ge [sflag:s12], $0x200  }
0x81: {  	[sflag:s12] =	ssyncset.done $0x0  }
0x82: {  	[sflag:s12] =	ssyncadd.s32 $0xFFFFFE00  }
0x83: {  	s22 =	sadd.s32 $0x1, s22  }
0x84: {  	p0 =	sne.s32 s22, s11  }
.Ltmp3:
0x85: {  	_ = 	snop;
	(pc) =	sbr.rel @p0 .LBB2_1-.Ltmp3, $1  }
0x86: {  	_ =	sdelay $0x3  }
0x87: {  	_ =	sfence.sel $0x180000  }
0x88: {  	[bflag:$0x0] =	sbarrier.arrive $0xFFFF  }
0x89: {  	_ =	strace $0x90000047  }
0x8a: {  	[bflag:$0x2] =	sbarrier.arrive $0xFFFF  }
0x8b: {  	p0 =	sne.s32 s1, $0x0;
	s0 =	rddreg [dreg:$0x2]  }
0x8c: {  	s0 =	sadd.s32 @!p0 $0x100000, s0  }
0x8d: {  	[sflag:s0] =	ssyncadd.tile.s32 @!p0 $0x1;
	_ =	shalt  }
.Lfunc_end2:
_tile_overlayer_lowered:
.L_overlay_start_2:
0x8e: {  	(tag) =	ssettag $0x2  }
0x8f: {  	s0 =	rddreg [dreg:$0x0];
	s2 =	stileid.u32  }
0x90: {  	s1 =	rddreg [dreg:$0x1];
	p0 =	sne.s32 s2, $0x0  }
0x91: {  	s3 =	rddreg [dreg:$0x2];
	[bflag:$0x3] =	sbarrier.arrive $0xFFFF;
	s2 =	simm.s32 @!p0 $0x1C02  }
0x92: {  	[timem:s3], [sflag:s2] =	dma.local @!p0 [hbm:s0], s1  }
0x93: {  	s0 =	simm.s32 @!p0 $0x2  }
0x94: {  	_ =	swait.ge @!p0 [sflag:s0], s1  }
0x95: {  	s1 =	ssub.s32 @!p0 $0x0, s1;
	[sflag:s0] =	ssyncset.done @!p0 $0x0  }
0x96: {  	[sflag:s0] =	ssyncadd.s32 @!p0 s1  }
0x97: {  	[bflag:$0x3] =	sbarrier.arrive $0xFFFF  }
0x98: {  	_ =	shalt  }

</sc_bundles>
